<compile_context>
chip_gen: v7x
topology: tpu7x:2x2x1
jax: 0.10.2.dev20260603
libtpu: 0.0.44.dev20260713+nightly
codegen_flags: <defaults>
</compile_context>

<pallas_src>
import jax
import jax.numpy as jnp
from jax import lax
from jax.experimental import pallas as pl
from jax.experimental.pallas import tpu as pltpu
from jax.experimental.pallas import tpu_sc as plsc

N = 16384
C = 1000

_info = plsc.get_sparse_core_info()
_NC = _info.num_cores
_NS = _info.num_subcores
_L = _info.num_lanes
_NW = _NC * _NS
_STRIPE = N // _NW
_BAND = 120
_NBUF = 2


def _one_hot_t_body(x_hbm, out_hbm, x_v, b0, b1, s0, s1):
    wid = lax.axis_index("s") * _NC + lax.axis_index("c")
    col0 = wid * _STRIPE

    pltpu.sync_copy(x_hbm.at[pl.ds(col0, _STRIPE)], x_v)

    bufs = (b0, b1)
    sems = (s0, s1)
    zeros = jnp.zeros((_L,), jnp.int32)

    def _zero_buf(buf):
        def _zero_row(r, _):
            for k in range(_STRIPE // _L):
                buf[r, pl.ds(k * _L, _L)] = zeros
            return 0

        lax.fori_loop(0, _BAND, _zero_row, 0)

    iota = lax.iota(jnp.int32, _L)
    ones = jnp.ones((_L,), jnp.int32)

    def _scatter(buf, cls0, ncls, vals):
        def _body(g, _):
            xv = x_v[pl.ds(g * _L, _L)]
            m = (xv >= cls0) & (xv < cls0 + ncls)
            plsc.store_scatter(buf, [xv - cls0, g * _L + iota], vals, mask=m)
            return 0

        lax.fori_loop(0, _STRIPE // _L, _body, 0)

    def _fire(b, cls0, ncls):
        dst = out_hbm.at[pl.ds(cls0, ncls), pl.ds(col0, _STRIPE)]
        return pltpu.async_copy(bufs[b].at[pl.ds(0, ncls), :], dst, sems[b])

    n_full = C // _BAND
    tail0, tailn = n_full * _BAND, C - n_full * _BAND

    for c in range(_NBUF):
        _zero_buf(bufs[c])
        _scatter(bufs[c], c * _BAND, _BAND, ones)
        _fire(c, c * _BAND, _BAND)

    def _step(i, _):
        for b in range(_NBUF):
            cb = _NBUF + i * _NBUF + b
            cls0 = pl.multiple_of(cb * _BAND, 8)
            dst = out_hbm.at[pl.ds(cls0, _BAND), pl.ds(col0, _STRIPE)]
            cp = pltpu.make_async_copy(bufs[b].at[pl.ds(0, _BAND), :], dst,
                                       sems[b])
            cp.wait()
            _scatter(bufs[b], cls0 - _NBUF * _BAND, _BAND, zeros)
            _scatter(bufs[b], cls0, _BAND, ones)
            pltpu.async_copy(bufs[b].at[pl.ds(0, _BAND), :], dst, sems[b])
        return 0

    n_steps = (n_full - _NBUF) // _NBUF
    lax.fori_loop(0, n_steps, _step, 0)

    done = _NBUF + n_steps * _NBUF
    tb = done % _NBUF
    pltpu.make_async_copy(
        bufs[tb].at[pl.ds(0, _BAND), :],
        out_hbm.at[pl.ds(0, _BAND), pl.ds(col0, _STRIPE)], sems[tb]).wait()
    _scatter(bufs[tb], (done - _NBUF) * _BAND, _BAND, zeros)
    _scatter(bufs[tb], tail0, tailn, ones)
    last = _fire(tb, tail0, tailn)

    for c in range(done - _NBUF + 1, done):
        b = c % _NBUF
        pltpu.make_async_copy(
            bufs[b].at[pl.ds(0, _BAND), :],
            out_hbm.at[pl.ds(0, _BAND), pl.ds(col0, _STRIPE)], sems[b]).wait()
    last.wait()


_one_hot_t = pl.kernel(
    _one_hot_t_body,
    out_type=jax.ShapeDtypeStruct((C, N), jnp.int32),
    mesh=plsc.VectorSubcoreMesh(core_axis_name="c", subcore_axis_name="s"),
    scratch_types=(
        [pltpu.VMEM((_STRIPE,), jnp.int32)]
        + [pltpu.VMEM((_BAND, _STRIPE), jnp.int32)] * _NBUF
        + [pltpu.SemaphoreType.DMA] * _NBUF
    ),
    compiler_params=pltpu.CompilerParams(
        needs_layout_passes=False, use_tc_tiling_on_sc=True),
)


@jax.jit
def kernel(x):
    return _one_hot_t(x).T

# --- scband reference (transcript-rebuilt; emitter-appended) ---
"""Pipeline reference for scband-one-hot-encoding-14663018348661 (READ-ONLY COPY).

The authoritative reference and input builder live on the scoring server;
editing this copy changes nothing except your own understanding.
"""

import jax, jax.numpy as jnp
import numpy as np

NUM_TYPES = 1000

def setup_inputs(seed: int = 0) -> dict:
    key = jax.random.key(seed)
    x = jax.random.randint(key, (16384,), 0, NUM_TYPES, dtype=jnp.int32)
    return {"x": x}

def reference(x) -> jnp.ndarray:
    # torch.nn.functional.one_hot(x, num_classes=num_types) returns integer dtype
    return jax.nn.one_hot(x, NUM_TYPES, dtype=jnp.int32)

if __name__ == "__main__":
    import jax
    _d = setup_inputs()
    print(jax.jit(kernel)(*tuple(_d.values())))

</pallas_src>

<mosaic_0001>
#map = affine_map<(d0, d1) -> (0)>
#map1 = affine_map<(d0, d1) -> (0, 0)>
module attributes {stable_mosaic.version = 14 : i64} {
  func.func @_one_hot_t_body(%arg0: i32, %arg1: i32, %arg2: memref<16384xi32, #tpu.memory_space<hbm>>, %arg3: memref<1000x16384xi32, #tpu.memory_space<hbm>>, %arg4: memref<512xi32, #tpu.memory_space<vmem>>, %arg5: memref<120x512xi32, #tpu.memory_space<vmem>>, %arg6: memref<120x512xi32, #tpu.memory_space<vmem>>, %arg7: memref<!tpu.dma_semaphore, #tpu.memory_space<semaphore_mem>>, %arg8: memref<!tpu.dma_semaphore, #tpu.memory_space<semaphore_mem>>) attributes {dimension_semantics = [#tpu.dimension_semantics<core_parallel>, #tpu.dimension_semantics<subcore_parallel>], iteration_bounds = array<i64: 2, 16>, scalar_prefetch = 0 : i64, scratch_operands = 5 : i64, tpu.core_type = #tpu.core_type<sc_vector_subcore>, window_params = [{transform_indices = #map}, {transform_indices = #map1}]} {
    %mul3A = arith.constant 2 : i32
    %mul3A_0 = arith.muli %arg1, %mul3A : i32
    %add3A = arith.addi %mul3A_0, %arg0 : i32
    %mul3A_1 = arith.constant 512 : i32
    %mul3A_2 = arith.muli %add3A, %mul3A_1 : i32
    "tpu.region"() ({
      %run_scoped3A = tpu.sem_alloc : memref<!tpu.dma_semaphore, #tpu.memory_space<semaphore_mem>>
      %dma_start3A_112 = tpu.memref_slice %arg2[%mul3A_2] : memref<16384xi32, #tpu.memory_space<hbm>> -> memref<512xi32, #tpu.memory_space<hbm>>
      %dma_start3A_113 = tpu.memref_slice %arg2[%mul3A_2] : memref<16384xi32, #tpu.memory_space<hbm>> -> memref<512xi32, #tpu.memory_space<hbm>>
      tpu.enqueue_dma source(%dma_start3A_113 : memref<512xi32, #tpu.memory_space<hbm>>) target(%arg4 : memref<512xi32, #tpu.memory_space<vmem>>) target_semaphore(%run_scoped3A : memref<!tpu.dma_semaphore, #tpu.memory_space<semaphore_mem>>)
      %dma_wait3A_114 = tpu.memref_slice %arg2[%mul3A_2] : memref<16384xi32, #tpu.memory_space<hbm>> -> memref<512xi32, #tpu.memory_space<hbm>>
      %dma_wait3A_115 = tpu.memref_slice %arg2[%mul3A_2] : memref<16384xi32, #tpu.memory_space<hbm>> -> memref<512xi32, #tpu.memory_space<hbm>>
      tpu.wait_dma2 semaphore(%run_scoped3A : memref<!tpu.dma_semaphore, #tpu.memory_space<semaphore_mem>>) src(%dma_wait3A_115 : memref<512xi32, #tpu.memory_space<hbm>>) dst(%arg4 : memref<512xi32, #tpu.memory_space<vmem>>)
      tpu.yield
    }) : () -> ()
    %broadcast_in_dim3A = arith.constant 0 : i32
    %broadcast_in_dim3A_3 = vector.broadcast %broadcast_in_dim3A : i32 to vector<16xi32>
    %iota3A = tpu.iota {dimensions = array<i32: 0>} : vector<16xi32>
    %broadcast_in_dim3A_4 = arith.constant 1 : i32
    %broadcast_in_dim3A_5 = vector.broadcast %broadcast_in_dim3A_4 : i32 to vector<16xi32>
    %scan3A = arith.constant 0 : i32
    %scan3A_6 = arith.constant 0 : i32
    %scan3A_7 = arith.constant 120 : i32
    %scan3A_8 = arith.addi %scan3A_6, %scan3A_7 : i32
    %scan3A_9 = arith.constant 1 : i32
    %scan3A_10 = scf.for %scan3A_112 = %scan3A_6 to %scan3A_8 step %scan3A_9 iter_args(%scan3A_113 = %scan3A) -> (i32)  : i32 {
      %swap3A = arith.index_cast %scan3A_112 : i32 to index
      %swap3A_114 = arith.constant 0 : index
      %swap3A_115 = tpu.vector_load %arg5[%swap3A, %swap3A_114] {strides = array<i32>} : memref<120x512xi32, #tpu.memory_space<vmem>>, vector<16xi32>,
      tpu.vector_store %arg5[%swap3A, %swap3A_114], %broadcast_in_dim3A_3 {strides = array<i32>} : memref<120x512xi32, #tpu.memory_space<vmem>>, vector<16xi32>,
      %swap3A_116 = arith.index_cast %scan3A_112 : i32 to index
      %swap3A_117 = arith.constant 16 : index
      %swap3A_118 = tpu.vector_load %arg5[%swap3A_116, %swap3A_117] {strides = array<i32>} : memref<120x512xi32, #tpu.memory_space<vmem>>, vector<16xi32>,
      tpu.vector_store %arg5[%swap3A_116, %swap3A_117], %broadcast_in_dim3A_3 {strides = array<i32>} : memref<120x512xi32, #tpu.memory_space<vmem>>, vector<16xi32>,
      %swap3A_119 = arith.index_cast %scan3A_112 : i32 to index
      %swap3A_120 = arith.constant 32 : index
      %swap3A_121 = tpu.vector_load %arg5[%swap3A_119, %swap3A_120] {strides = array<i32>} : memref<120x512xi32, #tpu.memory_space<vmem>>, vector<16xi32>,
      tpu.vector_store %arg5[%swap3A_119, %swap3A_120], %broadcast_in_dim3A_3 {strides = array<i32>} : memref<120x512xi32, #tpu.memory_space<vmem>>, vector<16xi32>,
      %swap3A_122 = arith.index_cast %scan3A_112 : i32 to index
      %swap3A_123 = arith.constant 48 : index
      %swap3A_124 = tpu.vector_load %arg5[%swap3A_122, %swap3A_123] {strides = array<i32>} : memref<120x512xi32, #tpu.memory_space<vmem>>, vector<16xi32>,
      tpu.vector_store %arg5[%swap3A_122, %swap3A_123], %broadcast_in_dim3A_3 {strides = array<i32>} : memref<120x512xi32, #tpu.memory_space<vmem>>, vector<16xi32>,
      %swap3A_125 = arith.index_cast %scan3A_112 : i32 to index
      %swap3A_126 = arith.constant 64 : index
      %swap3A_127 = tpu.vector_load %arg5[%swap3A_125, %swap3A_126] {strides = array<i32>} : memref<120x512xi32, #tpu.memory_space<vmem>>, vector<16xi32>,
      tpu.vector_store %arg5[%swap3A_125, %swap3A_126], %broadcast_in_dim3A_3 {strides = array<i32>} : memref<120x512xi32, #tpu.memory_space<vmem>>, vector<16xi32>,
      %swap3A_128 = arith.index_cast %scan3A_112 : i32 to index
      %swap3A_129 = arith.constant 80 : index
      %swap3A_130 = tpu.vector_load %arg5[%swap3A_128, %swap3A_129] {strides = array<i32>} : memref<120x512xi32, #tpu.memory_space<vmem>>, vector<16xi32>,
      tpu.vector_store %arg5[%swap3A_128, %swap3A_129], %broadcast_in_dim3A_3 {strides = array<i32>} : memref<120x512xi32, #tpu.memory_space<vmem>>, vector<16xi32>,
      %swap3A_131 = arith.index_cast %scan3A_112 : i32 to index
      %swap3A_132 = arith.constant 96 : index
      %swap3A_133 = tpu.vector_load %arg5[%swap3A_131, %swap3A_132] {strides = array<i32>} : memref<120x512xi32, #tpu.memory_space<vmem>>, vector<16xi32>,
      tpu.vector_store %arg5[%swap3A_131, %swap3A_132], %broadcast_in_dim3A_3 {strides = array<i32>} : memref<120x512xi32, #tpu.memory_space<vmem>>, vector<16xi32>,
      %swap3A_134 = arith.index_cast %scan3A_112 : i32 to index
      %swap3A_135 = arith.constant 112 : index
      %swap3A_136 = tpu.vector_load %arg5[%swap3A_134, %swap3A_135] {strides = array<i32>} : memref<120x512xi32, #tpu.memory_space<vmem>>, vector<16xi32>,
      tpu.vector_store %arg5[%swap3A_134, %swap3A_135], %broadcast_in_dim3A_3 {strides = array<i32>} : memref<120x512xi32, #tpu.memory_space<vmem>>, vector<16xi32>,
      %swap3A_137 = arith.index_cast %scan3A_112 : i32 to index
      %swap3A_138 = arith.constant 128 : index
      %swap3A_139 = tpu.vector_load %arg5[%swap3A_137, %swap3A_138] {strides = array<i32>} : memref<120x512xi32, #tpu.memory_space<vmem>>, vector<16xi32>,
      tpu.vector_store %arg5[%swap3A_137, %swap3A_138], %broadcast_in_dim3A_3 {strides = array<i32>} : memref<120x512xi32, #tpu.memory_space<vmem>>, vector<16xi32>,
      %swap3A_140 = arith.index_cast %scan3A_112 : i32 to index
      %swap3A_141 = arith.constant 144 : index
      %swap3A_142 = tpu.vector_load %arg5[%swap3A_140, %swap3A_141] {strides = array<i32>} : memref<120x512xi32, #tpu.memory_space<vmem>>, vector<16xi32>,
      tpu.vector_store %arg5[%swap3A_140, %swap3A_141], %broadcast_in_dim3A_3 {strides = array<i32>} : memref<120x512xi32, #tpu.memory_space<vmem>>, vector<16xi32>,
      %swap3A_143 = arith.index_cast %scan3A_112 : i32 to index
      %swap3A_144 = arith.constant 160 : index
      %swap3A_145 = tpu.vector_load %arg5[%swap3A_143, %swap3A_144] {strides = array<i32>} : memref<120x512xi32, #tpu.memory_space<vmem>>, vector<16xi32>,
      tpu.vector_store %arg5[%swap3A_143, %swap3A_144], %broadcast_in_dim3A_3 {strides = array<i32>} : memref<120x512xi32, #tpu.memory_space<vmem>>, vector<16xi32>,
      %swap3A_146 = arith.index_cast %scan3A_112 : i32 to index
      %swap3A_147 = arith.constant 176 : index
      %swap3A_148 = tpu.vector_load %arg5[%swap3A_146, %swap3A_147] {strides = array<i32>} : memref<120x512xi32, #tpu.memory_space<vmem>>, vector<16xi32>,
      tpu.vector_store %arg5[%swap3A_146, %swap3A_147], %broadcast_in_dim3A_3 {strides = array<i32>} : memref<120x512xi32, #tpu.memory_space<vmem>>, vector<16xi32>,
      %swap3A_149 = arith.index_cast %scan3A_112 : i32 to index
      %swap3A_150 = arith.constant 192 : index
      %swap3A_151 = tpu.vector_load %arg5[%swap3A_149, %swap3A_150] {strides = array<i32>} : memref<120x512xi32, #tpu.memory_space<vmem>>, vector<16xi32>,
      tpu.vector_store %arg5[%swap3A_149, %swap3A_150], %broadcast_in_dim3A_3 {strides = array<i32>} : memref<120x512xi32, #tpu.memory_space<vmem>>, vector<16xi32>,
      %swap3A_152 = arith.index_cast %scan3A_112 : i32 to index
      %swap3A_153 = arith.constant 208 : index
      %swap3A_154 = tpu.vector_load %arg5[%swap3A_152, %swap3A_153] {strides = array<i32>} : memref<120x512xi32, #tpu.memory_space<vmem>>, vector<16xi32>,
      tpu.vector_store %arg5[%swap3A_152, %swap3A_153], %broadcast_in_dim3A_3 {strides = array<i32>} : memref<120x512xi32, #tpu.memory_space<vmem>>, vector<16xi32>,
      %swap3A_155 = arith.index_cast %scan3A_112 : i32 to index
      %swap3A_156 = arith.constant 224 : index
      %swap3A_157 = tpu.vector_load %arg5[%swap3A_155, %swap3A_156] {strides = array<i32>} : memref<120x512xi32, #tpu.memory_space<vmem>>, vector<16xi32>,
      tpu.vector_store %arg5[%swap3A_155, %swap3A_156], %broadcast_in_dim3A_3 {strides = array<i32>} : memref<120x512xi32, #tpu.memory_space<vmem>>, vector<16xi32>,
      %swap3A_158 = arith.index_cast %scan3A_112 : i32 to index
      %swap3A_159 = arith.constant 240 : index
      %swap3A_160 = tpu.vector_load %arg5[%swap3A_158, %swap3A_159] {strides = array<i32>} : memref<120x512xi32, #tpu.memory_space<vmem>>, vector<16xi32>,
      tpu.vector_store %arg5[%swap3A_158, %swap3A_159], %broadcast_in_dim3A_3 {strides = array<i32>} : memref<120x512xi32, #tpu.memory_space<vmem>>, vector<16xi32>,
      %swap3A_161 = arith.index_cast %scan3A_112 : i32 to index
      %swap3A_162 = arith.constant 256 : index
      %swap3A_163 = tpu.vector_load %arg5[%swap3A_161, %swap3A_162] {strides = array<i32>} : memref<120x512xi32, #tpu.memory_space<vmem>>, vector<16xi32>,
      tpu.vector_store %arg5[%swap3A_161, %swap3A_162], %broadcast_in_dim3A_3 {strides = array<i32>} : memref<120x512xi32, #tpu.memory_space<vmem>>, vector<16xi32>,
      %swap3A_164 = arith.index_cast %scan3A_112 : i32 to index
      %swap3A_165 = arith.constant 272 : index
      %swap3A_166 = tpu.vector_load %arg5[%swap3A_164, %swap3A_165] {strides = array<i32>} : memref<120x512xi32, #tpu.memory_space<vmem>>, vector<16xi32>,
      tpu.vector_store %arg5[%swap3A_164, %swap3A_165], %broadcast_in_dim3A_3 {strides = array<i32>} : memref<120x512xi32, #tpu.memory_space<vmem>>, vector<16xi32>,
      %swap3A_167 = arith.index_cast %scan3A_112 : i32 to index
      %swap3A_168 = arith.constant 288 : index
      %swap3A_169 = tpu.vector_load %arg5[%swap3A_167, %swap3A_168] {strides = array<i32>} : memref<120x512xi32, #tpu.memory_space<vmem>>, vector<16xi32>,
      tpu.vector_store %arg5[%swap3A_167, %swap3A_168], %broadcast_in_dim3A_3 {strides = array<i32>} : memref<120x512xi32, #tpu.memory_space<vmem>>, vector<16xi32>,
      %swap3A_170 = arith.index_cast %scan3A_112 : i32 to index
      %swap3A_171 = arith.constant 304 : index
      %swap3A_172 = tpu.vector_load %arg5[%swap3A_170, %swap3A_171] {strides = array<i32>} : memref<120x512xi32, #tpu.memory_space<vmem>>, vector<16xi32>,
      tpu.vector_store %arg5[%swap3A_170, %swap3A_171], %broadcast_in_dim3A_3 {strides = array<i32>} : memref<120x512xi32, #tpu.memory_space<vmem>>, vector<16xi32>,
      %swap3A_173 = arith.index_cast %scan3A_112 : i32 to index
      %swap3A_174 = arith.constant 320 : index
      %swap3A_175 = tpu.vector_load %arg5[%swap3A_173, %swap3A_174] {strides = array<i32>} : memref<120x512xi32, #tpu.memory_space<vmem>>, vector<16xi32>,
      tpu.vector_store %arg5[%swap3A_173, %swap3A_174], %broadcast_in_dim3A_3 {strides = array<i32>} : memref<120x512xi32, #tpu.memory_space<vmem>>, vector<16xi32>,
      %swap3A_176 = arith.index_cast %scan3A_112 : i32 to index
      %swap3A_177 = arith.constant 336 : index
      %swap3A_178 = tpu.vector_load %arg5[%swap3A_176, %swap3A_177] {strides = array<i32>} : memref<120x512xi32, #tpu.memory_space<vmem>>, vector<16xi32>,
      tpu.vector_store %arg5[%swap3A_176, %swap3A_177], %broadcast_in_dim3A_3 {strides = array<i32>} : memref<120x512xi32, #tpu.memory_space<vmem>>, vector<16xi32>,
      %swap3A_179 = arith.index_cast %scan3A_112 : i32 to index
      %swap3A_180 = arith.constant 352 : index
      %swap3A_181 = tpu.vector_load %arg5[%swap3A_179, %swap3A_180] {strides = array<i32>} : memref<120x512xi32, #tpu.memory_space<vmem>>, vector<16xi32>,
      tpu.vector_store %arg5[%swap3A_179, %swap3A_180], %broadcast_in_dim3A_3 {strides = array<i32>} : memref<120x512xi32, #tpu.memory_space<vmem>>, vector<16xi32>,
      %swap3A_182 = arith.index_cast %scan3A_112 : i32 to index
      %swap3A_183 = arith.constant 368 : index
      %swap3A_184 = tpu.vector_load %arg5[%swap3A_182, %swap3A_183] {strides = array<i32>} : memref<120x512xi32, #tpu.memory_space<vmem>>, vector<16xi32>,
      tpu.vector_store %arg5[%swap3A_182, %swap3A_183], %broadcast_in_dim3A_3 {strides = array<i32>} : memref<120x512xi32, #tpu.memory_space<vmem>>, vector<16xi32>,
      %swap3A_185 = arith.index_cast %scan3A_112 : i32 to index
      %swap3A_186 = arith.constant 384 : index
      %swap3A_187 = tpu.vector_load %arg5[%swap3A_185, %swap3A_186] {strides = array<i32>} : memref<120x512xi32, #tpu.memory_space<vmem>>, vector<16xi32>,
      tpu.vector_store %arg5[%swap3A_185, %swap3A_186], %broadcast_in_dim3A_3 {strides = array<i32>} : memref<120x512xi32, #tpu.memory_space<vmem>>, vector<16xi32>,
      %swap3A_188 = arith.index_cast %scan3A_112 : i32 to index
      %swap3A_189 = arith.constant 400 : index
      %swap3A_190 = tpu.vector_load %arg5[%swap3A_188, %swap3A_189] {strides = array<i32>} : memref<120x512xi32, #tpu.memory_space<vmem>>, vector<16xi32>,
      tpu.vector_store %arg5[%swap3A_188, %swap3A_189], %broadcast_in_dim3A_3 {strides = array<i32>} : memref<120x512xi32, #tpu.memory_space<vmem>>, vector<16xi32>,
      %swap3A_191 = arith.index_cast %scan3A_112 : i32 to index
      %swap3A_192 = arith.constant 416 : index
      %swap3A_193 = tpu.vector_load %arg5[%swap3A_191, %swap3A_192] {strides = array<i32>} : memref<120x512xi32, #tpu.memory_space<vmem>>, vector<16xi32>,
      tpu.vector_store %arg5[%swap3A_191, %swap3A_192], %broadcast_in_dim3A_3 {strides = array<i32>} : memref<120x512xi32, #tpu.memory_space<vmem>>, vector<16xi32>,
      %swap3A_194 = arith.index_cast %scan3A_112 : i32 to index
      %swap3A_195 = arith.constant 432 : index
      %swap3A_196 = tpu.vector_load %arg5[%swap3A_194, %swap3A_195] {strides = array<i32>} : memref<120x512xi32, #tpu.memory_space<vmem>>, vector<16xi32>,
      tpu.vector_store %arg5[%swap3A_194, %swap3A_195], %broadcast_in_dim3A_3 {strides = array<i32>} : memref<120x512xi32, #tpu.memory_space<vmem>>, vector<16xi32>,
      %swap3A_197 = arith.index_cast %scan3A_112 : i32 to index
      %swap3A_198 = arith.constant 448 : index
      %swap3A_199 = tpu.vector_load %arg5[%swap3A_197, %swap3A_198] {strides = array<i32>} : memref<120x512xi32, #tpu.memory_space<vmem>>, vector<16xi32>,
      tpu.vector_store %arg5[%swap3A_197, %swap3A_198], %broadcast_in_dim3A_3 {strides = array<i32>} : memref<120x512xi32, #tpu.memory_space<vmem>>, vector<16xi32>,
      %swap3A_200 = arith.index_cast %scan3A_112 : i32 to index
      %swap3A_201 = arith.constant 464 : index
      %swap3A_202 = tpu.vector_load %arg5[%swap3A_200, %swap3A_201] {strides = array<i32>} : memref<120x512xi32, #tpu.memory_space<vmem>>, vector<16xi32>,
      tpu.vector_store %arg5[%swap3A_200, %swap3A_201], %broadcast_in_dim3A_3 {strides = array<i32>} : memref<120x512xi32, #tpu.memory_space<vmem>>, vector<16xi32>,
      %swap3A_203 = arith.index_cast %scan3A_112 : i32 to index
      %swap3A_204 = arith.constant 480 : index
      %swap3A_205 = tpu.vector_load %arg5[%swap3A_203, %swap3A_204] {strides = array<i32>} : memref<120x512xi32, #tpu.memory_space<vmem>>, vector<16xi32>,
      tpu.vector_store %arg5[%swap3A_203, %swap3A_204], %broadcast_in_dim3A_3 {strides = array<i32>} : memref<120x512xi32, #tpu.memory_space<vmem>>, vector<16xi32>,
      %swap3A_206 = arith.index_cast %scan3A_112 : i32 to index
      %swap3A_207 = arith.constant 496 : index
      %swap3A_208 = tpu.vector_load %arg5[%swap3A_206, %swap3A_207] {strides = array<i32>} : memref<120x512xi32, #tpu.memory_space<vmem>>, vector<16xi32>,
      tpu.vector_store %arg5[%swap3A_206, %swap3A_207], %broadcast_in_dim3A_3 {strides = array<i32>} : memref<120x512xi32, #tpu.memory_space<vmem>>, vector<16xi32>,
      %scan3A_209 = arith.constant 0 : i32
      scf.yield %scan3A_209 : i32
    }
    %scan3A_11 = arith.constant 120 : i32
    %scan3A_12 = arith.constant 0 : i32
    %scan3A_13 = arith.constant 0 : i32
    %scan3A_14 = arith.constant 32 : i32
    %scan3A_15 = arith.addi %scan3A_13, %scan3A_14 : i32
    %scan3A_16 = arith.constant 1 : i32
    %scan3A_17 = scf.for %scan3A_112 = %scan3A_13 to %scan3A_15 step %scan3A_16 iter_args(%scan3A_113 = %scan3A_12) -> (i32)  : i32 {
      %mul3A_114 = arith.constant 16 : i32
      %mul3A_115 = arith.muli %scan3A_112, %mul3A_114 : i32
      %get3A = arith.index_cast %mul3A_115 : i32 to index
      %get3A_116 = tpu.vector_load %arg4[%get3A] {strides = array<i32>} : memref<512xi32, #tpu.memory_space<vmem>>, vector<16xi32>,
      %ge3A = arith.constant 0 : i32
      %ge3A_117 = vector.broadcast %ge3A : i32 to vector<16xi32>
      %ge3A_118 = arith.cmpi sge, %get3A_116, %ge3A_117 : vector<16xi32>
      %lt3A = arith.constant 120 : i32
      %lt3A_119 = vector.broadcast %lt3A : i32 to vector<16xi32>
      %lt3A_120 = arith.cmpi slt, %get3A_116, %lt3A_119 : vector<16xi32>
      %and3A = arith.andi %ge3A_118, %lt3A_120 : vector<16xi1>
      %sub3A = arith.constant 0 : i32
      %sub3A_121 = vector.broadcast %sub3A : i32 to vector<16xi32>
      %sub3A_122 = arith.subi %get3A_116, %sub3A_121 : vector<16xi32>
      %mul3A_123 = arith.constant 16 : i32
      %mul3A_124 = arith.muli %scan3A_112, %mul3A_123 : i32
      %add3A_125 = vector.broadcast %mul3A_124 : i32 to vector<16xi32>
      %add3A_126 = arith.addi %add3A_125, %iota3A : vector<16xi32>
      tpu.vector_store_idx %arg5[%sub3A_122, %add3A_126], %broadcast_in_dim3A_5 masked %and3A : memref<120x512xi32, #tpu.memory_space<vmem>>[vector<16xi32>, vector<16xi32>], vector<16xi32>, vector<16xi1>
      %scan3A_127 = arith.constant 0 : i32
      scf.yield %scan3A_127 : i32
    }
    %scan3A_18 = arith.constant 32 : i32
    %dma_start3A = arith.constant 0 : i32
    %dma_start3A_19 = arith.constant 0 : i32
    %dma_start3A_20 = tpu.memref_slice %arg5[%dma_start3A, %dma_start3A_19] : memref<120x512xi32, #tpu.memory_space<vmem>> -> memref<120x512xi32, #tpu.memory_space<vmem>>
    %dma_start3A_21 = arith.constant 0 : i32
    %dma_start3A_22 = tpu.memref_slice %arg3[%dma_start3A_21, %mul3A_2] : memref<1000x16384xi32, #tpu.memory_space<hbm>> -> memref<120x512xi32, #tpu.memory_space<hbm>>
    %dma_start3A_23 = arith.constant 0 : i32
    %dma_start3A_24 = tpu.memref_slice %arg3[%dma_start3A_23, %mul3A_2] : memref<1000x16384xi32, #tpu.memory_space<hbm>> -> memref<120x512xi32, #tpu.memory_space<hbm>>
    %dma_start3A_25 = arith.constant 0 : i32
    %dma_start3A_26 = arith.constant 0 : i32
    %dma_start3A_27 = tpu.memref_slice %arg5[%dma_start3A_25, %dma_start3A_26] : memref<120x512xi32, #tpu.memory_space<vmem>> -> memref<120x512xi32, #tpu.memory_space<vmem>>
    tpu.enqueue_dma source(%dma_start3A_27 : memref<120x512xi32, #tpu.memory_space<vmem>>) target(%dma_start3A_24 : memref<120x512xi32, #tpu.memory_space<hbm>>) target_semaphore(%arg7 : memref<!tpu.dma_semaphore, #tpu.memory_space<semaphore_mem>>)
    %scan3A_28 = arith.constant 0 : i32
    %scan3A_29 = arith.constant 0 : i32
    %scan3A_30 = arith.constant 120 : i32
    %scan3A_31 = arith.addi %scan3A_29, %scan3A_30 : i32
    %scan3A_32 = arith.constant 1 : i32
    %scan3A_33 = scf.for %scan3A_112 = %scan3A_29 to %scan3A_31 step %scan3A_32 iter_args(%scan3A_113 = %scan3A_28) -> (i32)  : i32 {
      %swap3A = arith.index_cast %scan3A_112 : i32 to index
      %swap3A_114 = arith.constant 0 : index
      %swap3A_115 = tpu.vector_load %arg6[%swap3A, %swap3A_114] {strides = array<i32>} : memref<120x512xi32, #tpu.memory_space<vmem>>, vector<16xi32>,
      tpu.vector_store %arg6[%swap3A, %swap3A_114], %broadcast_in_dim3A_3 {strides = array<i32>} : memref<120x512xi32, #tpu.memory_space<vmem>>, vector<16xi32>,
      %swap3A_116 = arith.index_cast %scan3A_112 : i32 to index
      %swap3A_117 = arith.constant 16 : index
      %swap3A_118 = tpu.vector_load %arg6[%swap3A_116, %swap3A_117] {strides = array<i32>} : memref<120x512xi32, #tpu.memory_space<vmem>>, vector<16xi32>,
      tpu.vector_store %arg6[%swap3A_116, %swap3A_117], %broadcast_in_dim3A_3 {strides = array<i32>} : memref<120x512xi32, #tpu.memory_space<vmem>>, vector<16xi32>,
      %swap3A_119 = arith.index_cast %scan3A_112 : i32 to index
      %swap3A_120 = arith.constant 32 : index
      %swap3A_121 = tpu.vector_load %arg6[%swap3A_119, %swap3A_120] {strides = array<i32>} : memref<120x512xi32, #tpu.memory_space<vmem>>, vector<16xi32>,
      tpu.vector_store %arg6[%swap3A_119, %swap3A_120], %broadcast_in_dim3A_3 {strides = array<i32>} : memref<120x512xi32, #tpu.memory_space<vmem>>, vector<16xi32>,
      %swap3A_122 = arith.index_cast %scan3A_112 : i32 to index
      %swap3A_123 = arith.constant 48 : index
      %swap3A_124 = tpu.vector_load %arg6[%swap3A_122, %swap3A_123] {strides = array<i32>} : memref<120x512xi32, #tpu.memory_space<vmem>>, vector<16xi32>,
      tpu.vector_store %arg6[%swap3A_122, %swap3A_123], %broadcast_in_dim3A_3 {strides = array<i32>} : memref<120x512xi32, #tpu.memory_space<vmem>>, vector<16xi32>,
      %swap3A_125 = arith.index_cast %scan3A_112 : i32 to index
      %swap3A_126 = arith.constant 64 : index
      %swap3A_127 = tpu.vector_load %arg6[%swap3A_125, %swap3A_126] {strides = array<i32>} : memref<120x512xi32, #tpu.memory_space<vmem>>, vector<16xi32>,
      tpu.vector_store %arg6[%swap3A_125, %swap3A_126], %broadcast_in_dim3A_3 {strides = array<i32>} : memref<120x512xi32, #tpu.memory_space<vmem>>, vector<16xi32>,
      %swap3A_128 = arith.index_cast %scan3A_112 : i32 to index
      %swap3A_129 = arith.constant 80 : index
      %swap3A_130 = tpu.vector_load %arg6[%swap3A_128, %swap3A_129] {strides = array<i32>} : memref<120x512xi32, #tpu.memory_space<vmem>>, vector<16xi32>,
      tpu.vector_store %arg6[%swap3A_128, %swap3A_129], %broadcast_in_dim3A_3 {strides = array<i32>} : memref<120x512xi32, #tpu.memory_space<vmem>>, vector<16xi32>,
      %swap3A_131 = arith.index_cast %scan3A_112 : i32 to index
      %swap3A_132 = arith.constant 96 : index
      %swap3A_133 = tpu.vector_load %arg6[%swap3A_131, %swap3A_132] {strides = array<i32>} : memref<120x512xi32, #tpu.memory_space<vmem>>, vector<16xi32>,
      tpu.vector_store %arg6[%swap3A_131, %swap3A_132], %broadcast_in_dim3A_3 {strides = array<i32>} : memref<120x512xi32, #tpu.memory_space<vmem>>, vector<16xi32>,
      %swap3A_134 = arith.index_cast %scan3A_112 : i32 to index
      %swap3A_135 = arith.constant 112 : index
      %swap3A_136 = tpu.vector_load %arg6[%swap3A_134, %swap3A_135] {strides = array<i32>} : memref<120x512xi32, #tpu.memory_space<vmem>>, vector<16xi32>,
      tpu.vector_store %arg6[%swap3A_134, %swap3A_135], %broadcast_in_dim3A_3 {strides = array<i32>} : memref<120x512xi32, #tpu.memory_space<vmem>>, vector<16xi32>,
      %swap3A_137 = arith.index_cast %scan3A_112 : i32 to index
      %swap3A_138 = arith.constant 128 : index
      %swap3A_139 = tpu.vector_load %arg6[%swap3A_137, %swap3A_138] {strides = array<i32>} : memref<120x512xi32, #tpu.memory_space<vmem>>, vector<16xi32>,
      tpu.vector_store %arg6[%swap3A_137, %swap3A_138], %broadcast_in_dim3A_3 {strides = array<i32>} : memref<120x512xi32, #tpu.memory_space<vmem>>, vector<16xi32>,
      %swap3A_140 = arith.index_cast %scan3A_112 : i32 to index
      %swap3A_141 = arith.constant 144 : index
      %swap3A_142 = tpu.vector_load %arg6[%swap3A_140, %swap3A_141] {strides = array<i32>} : memref<120x512xi32, #tpu.memory_space<vmem>>, vector<16xi32>,
      tpu.vector_store %arg6[%swap3A_140, %swap3A_141], %broadcast_in_dim3A_3 {strides = array<i32>} : memref<120x512xi32, #tpu.memory_space<vmem>>, vector<16xi32>,
      %swap3A_143 = arith.index_cast %scan3A_112 : i32 to index
      %swap3A_144 = arith.constant 160 : index
      %swap3A_145 = tpu.vector_load %arg6[%swap3A_143, %swap3A_144] {strides = array<i32>} : memref<120x512xi32, #tpu.memory_space<vmem>>, vector<16xi32>,
      tpu.vector_store %arg6[%swap3A_143, %swap3A_144], %broadcast_in_dim3A_3 {strides = array<i32>} : memref<120x512xi32, #tpu.memory_space<vmem>>, vector<16xi32>,
      %swap3A_146 = arith.index_cast %scan3A_112 : i32 to index
      %swap3A_147 = arith.constant 176 : index
      %swap3A_148 = tpu.vector_load %arg6[%swap3A_146, %swap3A_147] {strides = array<i32>} : memref<120x512xi32, #tpu.memory_space<vmem>>, vector<16xi32>,
      tpu.vector_store %arg6[%swap3A_146, %swap3A_147], %broadcast_in_dim3A_3 {strides = array<i32>} : memref<120x512xi32, #tpu.memory_space<vmem>>, vector<16xi32>,
      %swap3A_149 = arith.index_cast %scan3A_112 : i32 to index
      %swap3A_150 = arith.constant 192 : index
      %swap3A_151 = tpu.vector_load %arg6[%swap3A_149, %swap3A_150] {strides = array<i32>} : memref<120x512xi32, #tpu.memory_space<vmem>>, vector<16xi32>,
      tpu.vector_store %arg6[%swap3A_149, %swap3A_150], %broadcast_in_dim3A_3 {strides = array<i32>} : memref<120x512xi32, #tpu.memory_space<vmem>>, vector<16xi32>,
      %swap3A_152 = arith.index_cast %scan3A_112 : i32 to index
      %swap3A_153 = arith.constant 208 : index
      %swap3A_154 = tpu.vector_load %arg6[%swap3A_152, %swap3A_153] {strides = array<i32>} : memref<120x512xi32, #tpu.memory_space<vmem>>, vector<16xi32>,
      tpu.vector_store %arg6[%swap3A_152, %swap3A_153], %broadcast_in_dim3A_3 {strides = array<i32>} : memref<120x512xi32, #tpu.memory_space<vmem>>, vector<16xi32>,
      %swap3A_155 = arith.index_cast %scan3A_112 : i32 to index
      %swap3A_156 = arith.constant 224 : index
      %swap3A_157 = tpu.vector_load %arg6[%swap3A_155, %swap3A_156] {strides = array<i32>} : memref<120x512xi32, #tpu.memory_space<vmem>>, vector<16xi32>,
      tpu.vector_store %arg6[%swap3A_155, %swap3A_156], %broadcast_in_dim3A_3 {strides = array<i32>} : memref<120x512xi32, #tpu.memory_space<vmem>>, vector<16xi32>,
      %swap3A_158 = arith.index_cast %scan3A_112 : i32 to index
      %swap3A_159 = arith.constant 240 : index
      %swap3A_160 = tpu.vector_load %arg6[%swap3A_158, %swap3A_159] {strides = array<i32>} : memref<120x512xi32, #tpu.memory_space<vmem>>, vector<16xi32>,
      tpu.vector_store %arg6[%swap3A_158, %swap3A_159], %broadcast_in_dim3A_3 {strides = array<i32>} : memref<120x512xi32, #tpu.memory_space<vmem>>, vector<16xi32>,
      %swap3A_161 = arith.index_cast %scan3A_112 : i32 to index
      %swap3A_162 = arith.constant 256 : index
      %swap3A_163 = tpu.vector_load %arg6[%swap3A_161, %swap3A_162] {strides = array<i32>} : memref<120x512xi32, #tpu.memory_space<vmem>>, vector<16xi32>,
      tpu.vector_store %arg6[%swap3A_161, %swap3A_162], %broadcast_in_dim3A_3 {strides = array<i32>} : memref<120x512xi32, #tpu.memory_space<vmem>>, vector<16xi32>,
      %swap3A_164 = arith.index_cast %scan3A_112 : i32 to index
      %swap3A_165 = arith.constant 272 : index
      %swap3A_166 = tpu.vector_load %arg6[%swap3A_164, %swap3A_165] {strides = array<i32>} : memref<120x512xi32, #tpu.memory_space<vmem>>, vector<16xi32>,
      tpu.vector_store %arg6[%swap3A_164, %swap3A_165], %broadcast_in_dim3A_3 {strides = array<i32>} : memref<120x512xi32, #tpu.memory_space<vmem>>, vector<16xi32>,
      %swap3A_167 = arith.index_cast %scan3A_112 : i32 to index
      %swap3A_168 = arith.constant 288 : index
      %swap3A_169 = tpu.vector_load %arg6[%swap3A_167, %swap3A_168] {strides = array<i32>} : memref<120x512xi32, #tpu.memory_space<vmem>>, vector<16xi32>,
      tpu.vector_store %arg6[%swap3A_167, %swap3A_168], %broadcast_in_dim3A_3 {strides = array<i32>} : memref<120x512xi32, #tpu.memory_space<vmem>>, vector<16xi32>,
      %swap3A_170 = arith.index_cast %scan3A_112 : i32 to index
      %swap3A_171 = arith.constant 304 : index
      %swap3A_172 = tpu.vector_load %arg6[%swap3A_170, %swap3A_171] {strides = array<i32>} : memref<120x512xi32, #tpu.memory_space<vmem>>, vector<16xi32>,
      tpu.vector_store %arg6[%swap3A_170, %swap3A_171], %broadcast_in_dim3A_3 {strides = array<i32>} : memref<120x512xi32, #tpu.memory_space<vmem>>, vector<16xi32>,
      %swap3A_173 = arith.index_cast %scan3A_112 : i32 to index
      %swap3A_174 = arith.constant 320 : index
      %swap3A_175 = tpu.vector_load %arg6[%swap3A_173, %swap3A_174] {strides = array<i32>} : memref<120x512xi32, #tpu.memory_space<vmem>>, vector<16xi32>,
      tpu.vector_store %arg6[%swap3A_173, %swap3A_174], %broadcast_in_dim3A_3 {strides = array<i32>} : memref<120x512xi32, #tpu.memory_space<vmem>>, vector<16xi32>,
      %swap3A_176 = arith.index_cast %scan3A_112 : i32 to index
      %swap3A_177 = arith.constant 336 : index
      %swap3A_178 = tpu.vector_load %arg6[%swap3A_176, %swap3A_177] {strides = array<i32>} : memref<120x512xi32, #tpu.memory_space<vmem>>, vector<16xi32>,
      tpu.vector_store %arg6[%swap3A_176, %swap3A_177], %broadcast_in_dim3A_3 {strides = array<i32>} : memref<120x512xi32, #tpu.memory_space<vmem>>, vector<16xi32>,
      %swap3A_179 = arith.index_cast %scan3A_112 : i32 to index
      %swap3A_180 = arith.constant 352 : index
      %swap3A_181 = tpu.vector_load %arg6[%swap3A_179, %swap3A_180] {strides = array<i32>} : memref<120x512xi32, #tpu.memory_space<vmem>>, vector<16xi32>,
      tpu.vector_store %arg6[%swap3A_179, %swap3A_180], %broadcast_in_dim3A_3 {strides = array<i32>} : memref<120x512xi32, #tpu.memory_space<vmem>>, vector<16xi32>,
      %swap3A_182 = arith.index_cast %scan3A_112 : i32 to index
      %swap3A_183 = arith.constant 368 : index
      %swap3A_184 = tpu.vector_load %arg6[%swap3A_182, %swap3A_183] {strides = array<i32>} : memref<120x512xi32, #tpu.memory_space<vmem>>, vector<16xi32>,
      tpu.vector_store %arg6[%swap3A_182, %swap3A_183], %broadcast_in_dim3A_3 {strides = array<i32>} : memref<120x512xi32, #tpu.memory_space<vmem>>, vector<16xi32>,
      %swap3A_185 = arith.index_cast %scan3A_112 : i32 to index
      %swap3A_186 = arith.constant 384 : index
      %swap3A_187 = tpu.vector_load %arg6[%swap3A_185, %swap3A_186] {strides = array<i32>} : memref<120x512xi32, #tpu.memory_space<vmem>>, vector<16xi32>,
      tpu.vector_store %arg6[%swap3A_185, %swap3A_186], %broadcast_in_dim3A_3 {strides = array<i32>} : memref<120x512xi32, #tpu.memory_space<vmem>>, vector<16xi32>,
      %swap3A_188 = arith.index_cast %scan3A_112 : i32 to index
      %swap3A_189 = arith.constant 400 : index
      %swap3A_190 = tpu.vector_load %arg6[%swap3A_188, %swap3A_189] {strides = array<i32>} : memref<120x512xi32, #tpu.memory_space<vmem>>, vector<16xi32>,
      tpu.vector_store %arg6[%swap3A_188, %swap3A_189], %broadcast_in_dim3A_3 {strides = array<i32>} : memref<120x512xi32, #tpu.memory_space<vmem>>, vector<16xi32>,
      %swap3A_191 = arith.index_cast %scan3A_112 : i32 to index
      %swap3A_192 = arith.constant 416 : index
      %swap3A_193 = tpu.vector_load %arg6[%swap3A_191, %swap3A_192] {strides = array<i32>} : memref<120x512xi32, #tpu.memory_space<vmem>>, vector<16xi32>,
      tpu.vector_store %arg6[%swap3A_191, %swap3A_192], %broadcast_in_dim3A_3 {strides = array<i32>} : memref<120x512xi32, #tpu.memory_space<vmem>>, vector<16xi32>,
      %swap3A_194 = arith.index_cast %scan3A_112 : i32 to index
      %swap3A_195 = arith.constant 432 : index
      %swap3A_196 = tpu.vector_load %arg6[%swap3A_194, %swap3A_195] {strides = array<i32>} : memref<120x512xi32, #tpu.memory_space<vmem>>, vector<16xi32>,
      tpu.vector_store %arg6[%swap3A_194, %swap3A_195], %broadcast_in_dim3A_3 {strides = array<i32>} : memref<120x512xi32, #tpu.memory_space<vmem>>, vector<16xi32>,
      %swap3A_197 = arith.index_cast %scan3A_112 : i32 to index
      %swap3A_198 = arith.constant 448 : index
      %swap3A_199 = tpu.vector_load %arg6[%swap3A_197, %swap3A_198] {strides = array<i32>} : memref<120x512xi32, #tpu.memory_space<vmem>>, vector<16xi32>,
      tpu.vector_store %arg6[%swap3A_197, %swap3A_198], %broadcast_in_dim3A_3 {strides = array<i32>} : memref<120x512xi32, #tpu.memory_space<vmem>>, vector<16xi32>,
      %swap3A_200 = arith.index_cast %scan3A_112 : i32 to index
      %swap3A_201 = arith.constant 464 : index
      %swap3A_202 = tpu.vector_load %arg6[%swap3A_200, %swap3A_201] {strides = array<i32>} : memref<120x512xi32, #tpu.memory_space<vmem>>, vector<16xi32>,
      tpu.vector_store %arg6[%swap3A_200, %swap3A_201], %broadcast_in_dim3A_3 {strides = array<i32>} : memref<120x512xi32, #tpu.memory_space<vmem>>, vector<16xi32>,
      %swap3A_203 = arith.index_cast %scan3A_112 : i32 to index
      %swap3A_204 = arith.constant 480 : index
      %swap3A_205 = tpu.vector_load %arg6[%swap3A_203, %swap3A_204] {strides = array<i32>} : memref<120x512xi32, #tpu.memory_space<vmem>>, vector<16xi32>,
      tpu.vector_store %arg6[%swap3A_203, %swap3A_204], %broadcast_in_dim3A_3 {strides = array<i32>} : memref<120x512xi32, #tpu.memory_space<vmem>>, vector<16xi32>,
      %swap3A_206 = arith.index_cast %scan3A_112 : i32 to index
      %swap3A_207 = arith.constant 496 : index
      %swap3A_208 = tpu.vector_load %arg6[%swap3A_206, %swap3A_207] {strides = array<i32>} : memref<120x512xi32, #tpu.memory_space<vmem>>, vector<16xi32>,
      tpu.vector_store %arg6[%swap3A_206, %swap3A_207], %broadcast_in_dim3A_3 {strides = array<i32>} : memref<120x512xi32, #tpu.memory_space<vmem>>, vector<16xi32>,
      %scan3A_209 = arith.constant 0 : i32
      scf.yield %scan3A_209 : i32
    }
    %scan3A_34 = arith.constant 120 : i32
    %scan3A_35 = arith.constant 0 : i32
    %scan3A_36 = arith.constant 0 : i32
    %scan3A_37 = arith.constant 32 : i32
    %scan3A_38 = arith.addi %scan3A_36, %scan3A_37 : i32
    %scan3A_39 = arith.constant 1 : i32
    %scan3A_40 = scf.for %scan3A_112 = %scan3A_36 to %scan3A_38 step %scan3A_39 iter_args(%scan3A_113 = %scan3A_35) -> (i32)  : i32 {
      %mul3A_114 = arith.constant 16 : i32
      %mul3A_115 = arith.muli %scan3A_112, %mul3A_114 : i32
      %get3A = arith.index_cast %mul3A_115 : i32 to index
      %get3A_116 = tpu.vector_load %arg4[%get3A] {strides = array<i32>} : memref<512xi32, #tpu.memory_space<vmem>>, vector<16xi32>,
      %ge3A = arith.constant 120 : i32
      %ge3A_117 = vector.broadcast %ge3A : i32 to vector<16xi32>
      %ge3A_118 = arith.cmpi sge, %get3A_116, %ge3A_117 : vector<16xi32>
      %lt3A = arith.constant 240 : i32
      %lt3A_119 = vector.broadcast %lt3A : i32 to vector<16xi32>
      %lt3A_120 = arith.cmpi slt, %get3A_116, %lt3A_119 : vector<16xi32>
      %and3A = arith.andi %ge3A_118, %lt3A_120 : vector<16xi1>
      %sub3A = arith.constant 120 : i32
      %sub3A_121 = vector.broadcast %sub3A : i32 to vector<16xi32>
      %sub3A_122 = arith.subi %get3A_116, %sub3A_121 : vector<16xi32>
      %mul3A_123 = arith.constant 16 : i32
      %mul3A_124 = arith.muli %scan3A_112, %mul3A_123 : i32
      %add3A_125 = vector.broadcast %mul3A_124 : i32 to vector<16xi32>
      %add3A_126 = arith.addi %add3A_125, %iota3A : vector<16xi32>
      tpu.vector_store_idx %arg6[%sub3A_122, %add3A_126], %broadcast_in_dim3A_5 masked %and3A : memref<120x512xi32, #tpu.memory_space<vmem>>[vector<16xi32>, vector<16xi32>], vector<16xi32>, vector<16xi1>
      %scan3A_127 = arith.constant 0 : i32
      scf.yield %scan3A_127 : i32
    }
    %scan3A_41 = arith.constant 32 : i32
    %dma_start3A_42 = arith.constant 0 : i32
    %dma_start3A_43 = arith.constant 0 : i32
    %dma_start3A_44 = tpu.memref_slice %arg6[%dma_start3A_42, %dma_start3A_43] : memref<120x512xi32, #tpu.memory_space<vmem>> -> memref<120x512xi32, #tpu.memory_space<vmem>>
    %dma_start3A_45 = arith.constant 120 : i32
    %dma_start3A_46 = tpu.memref_slice %arg3[%dma_start3A_45, %mul3A_2] : memref<1000x16384xi32, #tpu.memory_space<hbm>> -> memref<120x512xi32, #tpu.memory_space<hbm>>
    %dma_start3A_47 = arith.constant 120 : i32
    %dma_start3A_48 = tpu.memref_slice %arg3[%dma_start3A_47, %mul3A_2] : memref<1000x16384xi32, #tpu.memory_space<hbm>> -> memref<120x512xi32, #tpu.memory_space<hbm>>
    %dma_start3A_49 = arith.constant 0 : i32
    %dma_start3A_50 = arith.constant 0 : i32
    %dma_start3A_51 = tpu.memref_slice %arg6[%dma_start3A_49, %dma_start3A_50] : memref<120x512xi32, #tpu.memory_space<vmem>> -> memref<120x512xi32, #tpu.memory_space<vmem>>
    tpu.enqueue_dma source(%dma_start3A_51 : memref<120x512xi32, #tpu.memory_space<vmem>>) target(%dma_start3A_48 : memref<120x512xi32, #tpu.memory_space<hbm>>) target_semaphore(%arg8 : memref<!tpu.dma_semaphore, #tpu.memory_space<semaphore_mem>>)
    %scan3A_52 = arith.constant 0 : i32
    %scan3A_53 = arith.constant 0 : i32
    %scan3A_54 = arith.constant 3 : i32
    %scan3A_55 = arith.addi %scan3A_53, %scan3A_54 : i32
    %scan3A_56 = arith.constant 1 : i32
    %scan3A_57 = scf.for %scan3A_112 = %scan3A_53 to %scan3A_55 step %scan3A_56 iter_args(%scan3A_113 = %scan3A_52) -> (i32)  : i32 {
      %mul3A_114 = arith.constant 2 : i32
      %mul3A_115 = arith.muli %scan3A_112, %mul3A_114 : i32
      %add3A_116 = arith.constant 2 : i32
      %add3A_117 = arith.addi %add3A_116, %mul3A_115 : i32
      %add3A_118 = arith.constant 0 : i32
      %add3A_119 = arith.addi %add3A_117, %add3A_118 : i32
      %mul3A_120 = arith.constant 120 : i32
      %mul3A_121 = arith.muli %add3A_119, %mul3A_120 : i32
      %multiple_of3A = tpu.assume_multiple %mul3A_121, 8 : i32
      %dma_wait3A_122 = arith.constant 0 : i32
      %dma_wait3A_123 = arith.constant 0 : i32
      %dma_wait3A_124 = tpu.memref_slice %arg5[%dma_wait3A_122, %dma_wait3A_123] : memref<120x512xi32, #tpu.memory_space<vmem>> -> memref<120x512xi32, #tpu.memory_space<vmem>>
      %dma_wait3A_125 = tpu.memref_slice %arg3[%multiple_of3A, %mul3A_2] : memref<1000x16384xi32, #tpu.memory_space<hbm>> -> memref<120x512xi32, #tpu.memory_space<hbm>>
      %dma_wait3A_126 = tpu.memref_slice %arg3[%multiple_of3A, %mul3A_2] : memref<1000x16384xi32, #tpu.memory_space<hbm>> -> memref<120x512xi32, #tpu.memory_space<hbm>>
      %dma_wait3A_127 = arith.constant 0 : i32
      %dma_wait3A_128 = arith.constant 0 : i32
      %dma_wait3A_129 = tpu.memref_slice %arg5[%dma_wait3A_127, %dma_wait3A_128] : memref<120x512xi32, #tpu.memory_space<vmem>> -> memref<120x512xi32, #tpu.memory_space<vmem>>
      tpu.wait_dma2 semaphore(%arg7 : memref<!tpu.dma_semaphore, #tpu.memory_space<semaphore_mem>>) src(%dma_wait3A_129 : memref<120x512xi32, #tpu.memory_space<vmem>>) dst(%dma_wait3A_126 : memref<120x512xi32, #tpu.memory_space<hbm>>)
      %sub3A = arith.constant 240 : i32
      %sub3A_130 = arith.subi %multiple_of3A, %sub3A : i32
      %scan3A_131 = arith.constant 0 : i32
      %scan3A_132 = arith.constant 0 : i32
      %scan3A_133 = arith.constant 32 : i32
      %scan3A_134 = arith.addi %scan3A_132, %scan3A_133 : i32
      %scan3A_135 = arith.constant 1 : i32
      %scan3A_136 = scf.for %scan3A_195 = %scan3A_132 to %scan3A_134 step %scan3A_135 iter_args(%scan3A_196 = %scan3A_131) -> (i32)  : i32 {
        %mul3A_197 = arith.constant 16 : i32
        %mul3A_198 = arith.muli %scan3A_195, %mul3A_197 : i32
        %get3A = arith.index_cast %mul3A_198 : i32 to index
        %get3A_199 = tpu.vector_load %arg4[%get3A] {strides = array<i32>} : memref<512xi32, #tpu.memory_space<vmem>>, vector<16xi32>,
        %ge3A = vector.broadcast %sub3A_130 : i32 to vector<16xi32>
        %ge3A_200 = arith.cmpi sge, %get3A_199, %ge3A : vector<16xi32>
        %add3A_201 = arith.constant 120 : i32
        %add3A_202 = arith.addi %sub3A_130, %add3A_201 : i32
        %lt3A = vector.broadcast %add3A_202 : i32 to vector<16xi32>
        %lt3A_203 = arith.cmpi slt, %get3A_199, %lt3A : vector<16xi32>
        %and3A = arith.andi %ge3A_200, %lt3A_203 : vector<16xi1>
        %sub3A_204 = vector.broadcast %sub3A_130 : i32 to vector<16xi32>
        %sub3A_205 = arith.subi %get3A_199, %sub3A_204 : vector<16xi32>
        %mul3A_206 = arith.constant 16 : i32
        %mul3A_207 = arith.muli %scan3A_195, %mul3A_206 : i32
        %add3A_208 = vector.broadcast %mul3A_207 : i32 to vector<16xi32>
        %add3A_209 = arith.addi %add3A_208, %iota3A : vector<16xi32>
        tpu.vector_store_idx %arg5[%sub3A_205, %add3A_209], %broadcast_in_dim3A_3 masked %and3A : memref<120x512xi32, #tpu.memory_space<vmem>>[vector<16xi32>, vector<16xi32>], vector<16xi32>, vector<16xi1>
        %scan3A_210 = arith.constant 0 : i32
        scf.yield %scan3A_210 : i32
      }
      %scan3A_137 = arith.constant 32 : i32
      %scan3A_138 = arith.constant 0 : i32
      %scan3A_139 = arith.constant 0 : i32
      %scan3A_140 = arith.constant 32 : i32
      %scan3A_141 = arith.addi %scan3A_139, %scan3A_140 : i32
      %scan3A_142 = arith.constant 1 : i32
      %scan3A_143 = scf.for %scan3A_195 = %scan3A_139 to %scan3A_141 step %scan3A_142 iter_args(%scan3A_196 = %scan3A_138) -> (i32)  : i32 {
        %mul3A_197 = arith.constant 16 : i32
        %mul3A_198 = arith.muli %scan3A_195, %mul3A_197 : i32
        %get3A = arith.index_cast %mul3A_198 : i32 to index
        %get3A_199 = tpu.vector_load %arg4[%get3A] {strides = array<i32>} : memref<512xi32, #tpu.memory_space<vmem>>, vector<16xi32>,
        %ge3A = vector.broadcast %multiple_of3A : i32 to vector<16xi32>
        %ge3A_200 = arith.cmpi sge, %get3A_199, %ge3A : vector<16xi32>
        %add3A_201 = arith.constant 120 : i32
        %add3A_202 = arith.addi %multiple_of3A, %add3A_201 : i32
        %lt3A = vector.broadcast %add3A_202 : i32 to vector<16xi32>
        %lt3A_203 = arith.cmpi slt, %get3A_199, %lt3A : vector<16xi32>
        %and3A = arith.andi %ge3A_200, %lt3A_203 : vector<16xi1>
        %sub3A_204 = vector.broadcast %multiple_of3A : i32 to vector<16xi32>
        %sub3A_205 = arith.subi %get3A_199, %sub3A_204 : vector<16xi32>
        %mul3A_206 = arith.constant 16 : i32
        %mul3A_207 = arith.muli %scan3A_195, %mul3A_206 : i32
        %add3A_208 = vector.broadcast %mul3A_207 : i32 to vector<16xi32>
        %add3A_209 = arith.addi %add3A_208, %iota3A : vector<16xi32>
        tpu.vector_store_idx %arg5[%sub3A_205, %add3A_209], %broadcast_in_dim3A_5 masked %and3A : memref<120x512xi32, #tpu.memory_space<vmem>>[vector<16xi32>, vector<16xi32>], vector<16xi32>, vector<16xi1>
        %scan3A_210 = arith.constant 0 : i32
        scf.yield %scan3A_210 : i32
      }
      %scan3A_144 = arith.constant 32 : i32
      %dma_start3A_145 = arith.constant 0 : i32
      %dma_start3A_146 = arith.constant 0 : i32
      %dma_start3A_147 = tpu.memref_slice %arg5[%dma_start3A_145, %dma_start3A_146] : memref<120x512xi32, #tpu.memory_space<vmem>> -> memref<120x512xi32, #tpu.memory_space<vmem>>
      %dma_start3A_148 = tpu.memref_slice %arg3[%multiple_of3A, %mul3A_2] : memref<1000x16384xi32, #tpu.memory_space<hbm>> -> memref<120x512xi32, #tpu.memory_space<hbm>>
      %dma_start3A_149 = tpu.memref_slice %arg3[%multiple_of3A, %mul3A_2] : memref<1000x16384xi32, #tpu.memory_space<hbm>> -> memref<120x512xi32, #tpu.memory_space<hbm>>
      %dma_start3A_150 = arith.constant 0 : i32
      %dma_start3A_151 = arith.constant 0 : i32
      %dma_start3A_152 = tpu.memref_slice %arg5[%dma_start3A_150, %dma_start3A_151] : memref<120x512xi32, #tpu.memory_space<vmem>> -> memref<120x512xi32, #tpu.memory_space<vmem>>
      tpu.enqueue_dma source(%dma_start3A_152 : memref<120x512xi32, #tpu.memory_space<vmem>>) target(%dma_start3A_149 : memref<120x512xi32, #tpu.memory_space<hbm>>) target_semaphore(%arg7 : memref<!tpu.dma_semaphore, #tpu.memory_space<semaphore_mem>>)
      %mul3A_153 = arith.constant 2 : i32
      %mul3A_154 = arith.muli %scan3A_112, %mul3A_153 : i32
      %add3A_155 = arith.constant 2 : i32
      %add3A_156 = arith.addi %add3A_155, %mul3A_154 : i32
      %add3A_157 = arith.constant 1 : i32
      %add3A_158 = arith.addi %add3A_156, %add3A_157 : i32
      %mul3A_159 = arith.constant 120 : i32
      %mul3A_160 = arith.muli %add3A_158, %mul3A_159 : i32
      %multiple_of3A_161 = tpu.assume_multiple %mul3A_160, 8 : i32
      %dma_wait3A_162 = arith.constant 0 : i32
      %dma_wait3A_163 = arith.constant 0 : i32
      %dma_wait3A_164 = tpu.memref_slice %arg6[%dma_wait3A_162, %dma_wait3A_163] : memref<120x512xi32, #tpu.memory_space<vmem>> -> memref<120x512xi32, #tpu.memory_space<vmem>>
      %dma_wait3A_165 = tpu.memref_slice %arg3[%multiple_of3A_161, %mul3A_2] : memref<1000x16384xi32, #tpu.memory_space<hbm>> -> memref<120x512xi32, #tpu.memory_space<hbm>>
      %dma_wait3A_166 = tpu.memref_slice %arg3[%multiple_of3A_161, %mul3A_2] : memref<1000x16384xi32, #tpu.memory_space<hbm>> -> memref<120x512xi32, #tpu.memory_space<hbm>>
      %dma_wait3A_167 = arith.constant 0 : i32
      %dma_wait3A_168 = arith.constant 0 : i32
      %dma_wait3A_169 = tpu.memref_slice %arg6[%dma_wait3A_167, %dma_wait3A_168] : memref<120x512xi32, #tpu.memory_space<vmem>> -> memref<120x512xi32, #tpu.memory_space<vmem>>
      tpu.wait_dma2 semaphore(%arg8 : memref<!tpu.dma_semaphore, #tpu.memory_space<semaphore_mem>>) src(%dma_wait3A_169 : memref<120x512xi32, #tpu.memory_space<vmem>>) dst(%dma_wait3A_166 : memref<120x512xi32, #tpu.memory_space<hbm>>)
      %sub3A_170 = arith.constant 240 : i32
      %sub3A_171 = arith.subi %multiple_of3A_161, %sub3A_170 : i32
      %scan3A_172 = arith.constant 0 : i32
      %scan3A_173 = arith.constant 0 : i32
      %scan3A_174 = arith.constant 32 : i32
      %scan3A_175 = arith.addi %scan3A_173, %scan3A_174 : i32
      %scan3A_176 = arith.constant 1 : i32
      %scan3A_177 = scf.for %scan3A_195 = %scan3A_173 to %scan3A_175 step %scan3A_176 iter_args(%scan3A_196 = %scan3A_172) -> (i32)  : i32 {
        %mul3A_197 = arith.constant 16 : i32
        %mul3A_198 = arith.muli %scan3A_195, %mul3A_197 : i32
        %get3A = arith.index_cast %mul3A_198 : i32 to index
        %get3A_199 = tpu.vector_load %arg4[%get3A] {strides = array<i32>} : memref<512xi32, #tpu.memory_space<vmem>>, vector<16xi32>,
        %ge3A = vector.broadcast %sub3A_171 : i32 to vector<16xi32>
        %ge3A_200 = arith.cmpi sge, %get3A_199, %ge3A : vector<16xi32>
        %add3A_201 = arith.constant 120 : i32
        %add3A_202 = arith.addi %sub3A_171, %add3A_201 : i32
        %lt3A = vector.broadcast %add3A_202 : i32 to vector<16xi32>
        %lt3A_203 = arith.cmpi slt, %get3A_199, %lt3A : vector<16xi32>
        %and3A = arith.andi %ge3A_200, %lt3A_203 : vector<16xi1>
        %sub3A_204 = vector.broadcast %sub3A_171 : i32 to vector<16xi32>
        %sub3A_205 = arith.subi %get3A_199, %sub3A_204 : vector<16xi32>
        %mul3A_206 = arith.constant 16 : i32
        %mul3A_207 = arith.muli %scan3A_195, %mul3A_206 : i32
        %add3A_208 = vector.broadcast %mul3A_207 : i32 to vector<16xi32>
        %add3A_209 = arith.addi %add3A_208, %iota3A : vector<16xi32>
        tpu.vector_store_idx %arg6[%sub3A_205, %add3A_209], %broadcast_in_dim3A_3 masked %and3A : memref<120x512xi32, #tpu.memory_space<vmem>>[vector<16xi32>, vector<16xi32>], vector<16xi32>, vector<16xi1>
        %scan3A_210 = arith.constant 0 : i32
        scf.yield %scan3A_210 : i32
      }
      %scan3A_178 = arith.constant 32 : i32
      %scan3A_179 = arith.constant 0 : i32
      %scan3A_180 = arith.constant 0 : i32
      %scan3A_181 = arith.constant 32 : i32
      %scan3A_182 = arith.addi %scan3A_180, %scan3A_181 : i32
      %scan3A_183 = arith.constant 1 : i32
      %scan3A_184 = scf.for %scan3A_195 = %scan3A_180 to %scan3A_182 step %scan3A_183 iter_args(%scan3A_196 = %scan3A_179) -> (i32)  : i32 {
        %mul3A_197 = arith.constant 16 : i32
        %mul3A_198 = arith.muli %scan3A_195, %mul3A_197 : i32
        %get3A = arith.index_cast %mul3A_198 : i32 to index
        %get3A_199 = tpu.vector_load %arg4[%get3A] {strides = array<i32>} : memref<512xi32, #tpu.memory_space<vmem>>, vector<16xi32>,
        %ge3A = vector.broadcast %multiple_of3A_161 : i32 to vector<16xi32>
        %ge3A_200 = arith.cmpi sge, %get3A_199, %ge3A : vector<16xi32>
        %add3A_201 = arith.constant 120 : i32
        %add3A_202 = arith.addi %multiple_of3A_161, %add3A_201 : i32
        %lt3A = vector.broadcast %add3A_202 : i32 to vector<16xi32>
        %lt3A_203 = arith.cmpi slt, %get3A_199, %lt3A : vector<16xi32>
        %and3A = arith.andi %ge3A_200, %lt3A_203 : vector<16xi1>
        %sub3A_204 = vector.broadcast %multiple_of3A_161 : i32 to vector<16xi32>
        %sub3A_205 = arith.subi %get3A_199, %sub3A_204 : vector<16xi32>
        %mul3A_206 = arith.constant 16 : i32
        %mul3A_207 = arith.muli %scan3A_195, %mul3A_206 : i32
        %add3A_208 = vector.broadcast %mul3A_207 : i32 to vector<16xi32>
        %add3A_209 = arith.addi %add3A_208, %iota3A : vector<16xi32>
        tpu.vector_store_idx %arg6[%sub3A_205, %add3A_209], %broadcast_in_dim3A_5 masked %and3A : memref<120x512xi32, #tpu.memory_space<vmem>>[vector<16xi32>, vector<16xi32>], vector<16xi32>, vector<16xi1>
        %scan3A_210 = arith.constant 0 : i32
        scf.yield %scan3A_210 : i32
      }
      %scan3A_185 = arith.constant 32 : i32
      %dma_start3A_186 = arith.constant 0 : i32
      %dma_start3A_187 = arith.constant 0 : i32
      %dma_start3A_188 = tpu.memref_slice %arg6[%dma_start3A_186, %dma_start3A_187] : memref<120x512xi32, #tpu.memory_space<vmem>> -> memref<120x512xi32, #tpu.memory_space<vmem>>
      %dma_start3A_189 = tpu.memref_slice %arg3[%multiple_of3A_161, %mul3A_2] : memref<1000x16384xi32, #tpu.memory_space<hbm>> -> memref<120x512xi32, #tpu.memory_space<hbm>>
      %dma_start3A_190 = tpu.memref_slice %arg3[%multiple_of3A_161, %mul3A_2] : memref<1000x16384xi32, #tpu.memory_space<hbm>> -> memref<120x512xi32, #tpu.memory_space<hbm>>
      %dma_start3A_191 = arith.constant 0 : i32
      %dma_start3A_192 = arith.constant 0 : i32
      %dma_start3A_193 = tpu.memref_slice %arg6[%dma_start3A_191, %dma_start3A_192] : memref<120x512xi32, #tpu.memory_space<vmem>> -> memref<120x512xi32, #tpu.memory_space<vmem>>
      tpu.enqueue_dma source(%dma_start3A_193 : memref<120x512xi32, #tpu.memory_space<vmem>>) target(%dma_start3A_190 : memref<120x512xi32, #tpu.memory_space<hbm>>) target_semaphore(%arg8 : memref<!tpu.dma_semaphore, #tpu.memory_space<semaphore_mem>>)
      %scan3A_194 = arith.constant 0 : i32
      scf.yield %scan3A_194 : i32
    }
    %scan3A_58 = arith.constant 3 : i32
    %dma_wait3A = arith.constant 0 : i32
    %dma_wait3A_59 = arith.constant 0 : i32
    %dma_wait3A_60 = tpu.memref_slice %arg5[%dma_wait3A, %dma_wait3A_59] : memref<120x512xi32, #tpu.memory_space<vmem>> -> memref<120x512xi32, #tpu.memory_space<vmem>>
    %dma_wait3A_61 = arith.constant 0 : i32
    %dma_wait3A_62 = tpu.memref_slice %arg3[%dma_wait3A_61, %mul3A_2] : memref<1000x16384xi32, #tpu.memory_space<hbm>> -> memref<120x512xi32, #tpu.memory_space<hbm>>
    %dma_wait3A_63 = arith.constant 0 : i32
    %dma_wait3A_64 = tpu.memref_slice %arg3[%dma_wait3A_63, %mul3A_2] : memref<1000x16384xi32, #tpu.memory_space<hbm>> -> memref<120x512xi32, #tpu.memory_space<hbm>>
    %dma_wait3A_65 = arith.constant 0 : i32
    %dma_wait3A_66 = arith.constant 0 : i32
    %dma_wait3A_67 = tpu.memref_slice %arg5[%dma_wait3A_65, %dma_wait3A_66] : memref<120x512xi32, #tpu.memory_space<vmem>> -> memref<120x512xi32, #tpu.memory_space<vmem>>
    tpu.wait_dma2 semaphore(%arg7 : memref<!tpu.dma_semaphore, #tpu.memory_space<semaphore_mem>>) src(%dma_wait3A_67 : memref<120x512xi32, #tpu.memory_space<vmem>>) dst(%dma_wait3A_64 : memref<120x512xi32, #tpu.memory_space<hbm>>)
    %scan3A_68 = arith.constant 0 : i32
    %scan3A_69 = arith.constant 0 : i32
    %scan3A_70 = arith.constant 32 : i32
    %scan3A_71 = arith.addi %scan3A_69, %scan3A_70 : i32
    %scan3A_72 = arith.constant 1 : i32
    %scan3A_73 = scf.for %scan3A_112 = %scan3A_69 to %scan3A_71 step %scan3A_72 iter_args(%scan3A_113 = %scan3A_68) -> (i32)  : i32 {
      %mul3A_114 = arith.constant 16 : i32
      %mul3A_115 = arith.muli %scan3A_112, %mul3A_114 : i32
      %get3A = arith.index_cast %mul3A_115 : i32 to index
      %get3A_116 = tpu.vector_load %arg4[%get3A] {strides = array<i32>} : memref<512xi32, #tpu.memory_space<vmem>>, vector<16xi32>,
      %ge3A = arith.constant 720 : i32
      %ge3A_117 = vector.broadcast %ge3A : i32 to vector<16xi32>
      %ge3A_118 = arith.cmpi sge, %get3A_116, %ge3A_117 : vector<16xi32>
      %lt3A = arith.constant 840 : i32
      %lt3A_119 = vector.broadcast %lt3A : i32 to vector<16xi32>
      %lt3A_120 = arith.cmpi slt, %get3A_116, %lt3A_119 : vector<16xi32>
      %and3A = arith.andi %ge3A_118, %lt3A_120 : vector<16xi1>
      %sub3A = arith.constant 720 : i32
      %sub3A_121 = vector.broadcast %sub3A : i32 to vector<16xi32>
      %sub3A_122 = arith.subi %get3A_116, %sub3A_121 : vector<16xi32>
      %mul3A_123 = arith.constant 16 : i32
      %mul3A_124 = arith.muli %scan3A_112, %mul3A_123 : i32
      %add3A_125 = vector.broadcast %mul3A_124 : i32 to vector<16xi32>
      %add3A_126 = arith.addi %add3A_125, %iota3A : vector<16xi32>
      tpu.vector_store_idx %arg5[%sub3A_122, %add3A_126], %broadcast_in_dim3A_3 masked %and3A : memref<120x512xi32, #tpu.memory_space<vmem>>[vector<16xi32>, vector<16xi32>], vector<16xi32>, vector<16xi1>
      %scan3A_127 = arith.constant 0 : i32
      scf.yield %scan3A_127 : i32
    }
    %scan3A_74 = arith.constant 32 : i32
    %scan3A_75 = arith.constant 0 : i32
    %scan3A_76 = arith.constant 0 : i32
    %scan3A_77 = arith.constant 32 : i32
    %scan3A_78 = arith.addi %scan3A_76, %scan3A_77 : i32
    %scan3A_79 = arith.constant 1 : i32
    %scan3A_80 = scf.for %scan3A_112 = %scan3A_76 to %scan3A_78 step %scan3A_79 iter_args(%scan3A_113 = %scan3A_75) -> (i32)  : i32 {
      %mul3A_114 = arith.constant 16 : i32
      %mul3A_115 = arith.muli %scan3A_112, %mul3A_114 : i32
      %get3A = arith.index_cast %mul3A_115 : i32 to index
      %get3A_116 = tpu.vector_load %arg4[%get3A] {strides = array<i32>} : memref<512xi32, #tpu.memory_space<vmem>>, vector<16xi32>,
      %ge3A = arith.constant 960 : i32
      %ge3A_117 = vector.broadcast %ge3A : i32 to vector<16xi32>
      %ge3A_118 = arith.cmpi sge, %get3A_116, %ge3A_117 : vector<16xi32>
      %lt3A = arith.constant 1000 : i32
      %lt3A_119 = vector.broadcast %lt3A : i32 to vector<16xi32>
      %lt3A_120 = arith.cmpi slt, %get3A_116, %lt3A_119 : vector<16xi32>
      %and3A = arith.andi %ge3A_118, %lt3A_120 : vector<16xi1>
      %sub3A = arith.constant 960 : i32
      %sub3A_121 = vector.broadcast %sub3A : i32 to vector<16xi32>
      %sub3A_122 = arith.subi %get3A_116, %sub3A_121 : vector<16xi32>
      %mul3A_123 = arith.constant 16 : i32
      %mul3A_124 = arith.muli %scan3A_112, %mul3A_123 : i32
      %add3A_125 = vector.broadcast %mul3A_124 : i32 to vector<16xi32>
      %add3A_126 = arith.addi %add3A_125, %iota3A : vector<16xi32>
      tpu.vector_store_idx %arg5[%sub3A_122, %add3A_126], %broadcast_in_dim3A_5 masked %and3A : memref<120x512xi32, #tpu.memory_space<vmem>>[vector<16xi32>, vector<16xi32>], vector<16xi32>, vector<16xi1>
      %scan3A_127 = arith.constant 0 : i32
      scf.yield %scan3A_127 : i32
    }
    %scan3A_81 = arith.constant 32 : i32
    %dma_start3A_82 = arith.constant 0 : i32
    %dma_start3A_83 = arith.constant 0 : i32
    %dma_start3A_84 = tpu.memref_slice %arg5[%dma_start3A_82, %dma_start3A_83] : memref<120x512xi32, #tpu.memory_space<vmem>> -> memref<40x512xi32, #tpu.memory_space<vmem>>
    %dma_start3A_85 = arith.constant 960 : i32
    %dma_start3A_86 = tpu.memref_slice %arg3[%dma_start3A_85, %mul3A_2] : memref<1000x16384xi32, #tpu.memory_space<hbm>> -> memref<40x512xi32, #tpu.memory_space<hbm>>
    %dma_start3A_87 = arith.constant 960 : i32
    %dma_start3A_88 = tpu.memref_slice %arg3[%dma_start3A_87, %mul3A_2] : memref<1000x16384xi32, #tpu.memory_space<hbm>> -> memref<40x512xi32, #tpu.memory_space<hbm>>
    %dma_start3A_89 = arith.constant 0 : i32
    %dma_start3A_90 = arith.constant 0 : i32
    %dma_start3A_91 = tpu.memref_slice %arg5[%dma_start3A_89, %dma_start3A_90] : memref<120x512xi32, #tpu.memory_space<vmem>> -> memref<40x512xi32, #tpu.memory_space<vmem>>
    tpu.enqueue_dma source(%dma_start3A_91 : memref<40x512xi32, #tpu.memory_space<vmem>>) target(%dma_start3A_88 : memref<40x512xi32, #tpu.memory_space<hbm>>) target_semaphore(%arg7 : memref<!tpu.dma_semaphore, #tpu.memory_space<semaphore_mem>>)
    %dma_wait3A_92 = arith.constant 0 : i32
    %dma_wait3A_93 = arith.constant 0 : i32
    %dma_wait3A_94 = tpu.memref_slice %arg6[%dma_wait3A_92, %dma_wait3A_93] : memref<120x512xi32, #tpu.memory_space<vmem>> -> memref<120x512xi32, #tpu.memory_space<vmem>>
    %dma_wait3A_95 = arith.constant 0 : i32
    %dma_wait3A_96 = tpu.memref_slice %arg3[%dma_wait3A_95, %mul3A_2] : memref<1000x16384xi32, #tpu.memory_space<hbm>> -> memref<120x512xi32, #tpu.memory_space<hbm>>
    %dma_wait3A_97 = arith.constant 0 : i32
    %dma_wait3A_98 = tpu.memref_slice %arg3[%dma_wait3A_97, %mul3A_2] : memref<1000x16384xi32, #tpu.memory_space<hbm>> -> memref<120x512xi32, #tpu.memory_space<hbm>>
    %dma_wait3A_99 = arith.constant 0 : i32
    %dma_wait3A_100 = arith.constant 0 : i32
    %dma_wait3A_101 = tpu.memref_slice %arg6[%dma_wait3A_99, %dma_wait3A_100] : memref<120x512xi32, #tpu.memory_space<vmem>> -> memref<120x512xi32, #tpu.memory_space<vmem>>
    tpu.wait_dma2 semaphore(%arg8 : memref<!tpu.dma_semaphore, #tpu.memory_space<semaphore_mem>>) src(%dma_wait3A_101 : memref<120x512xi32, #tpu.memory_space<vmem>>) dst(%dma_wait3A_98 : memref<120x512xi32, #tpu.memory_space<hbm>>)
    %dma_wait3A_102 = arith.constant 0 : i32
    %dma_wait3A_103 = arith.constant 0 : i32
    %dma_wait3A_104 = tpu.memref_slice %arg5[%dma_wait3A_102, %dma_wait3A_103] : memref<120x512xi32, #tpu.memory_space<vmem>> -> memref<40x512xi32, #tpu.memory_space<vmem>>
    %dma_wait3A_105 = arith.constant 960 : i32
    %dma_wait3A_106 = tpu.memref_slice %arg3[%dma_wait3A_105, %mul3A_2] : memref<1000x16384xi32, #tpu.memory_space<hbm>> -> memref<40x512xi32, #tpu.memory_space<hbm>>
    %dma_wait3A_107 = arith.constant 960 : i32
    %dma_wait3A_108 = tpu.memref_slice %arg3[%dma_wait3A_107, %mul3A_2] : memref<1000x16384xi32, #tpu.memory_space<hbm>> -> memref<40x512xi32, #tpu.memory_space<hbm>>
    %dma_wait3A_109 = arith.constant 0 : i32
    %dma_wait3A_110 = arith.constant 0 : i32
    %dma_wait3A_111 = tpu.memref_slice %arg5[%dma_wait3A_109, %dma_wait3A_110] : memref<120x512xi32, #tpu.memory_space<vmem>> -> memref<40x512xi32, #tpu.memory_space<vmem>>
    tpu.wait_dma2 semaphore(%arg7 : memref<!tpu.dma_semaphore, #tpu.memory_space<semaphore_mem>>) src(%dma_wait3A_111 : memref<40x512xi32, #tpu.memory_space<vmem>>) dst(%dma_wait3A_108 : memref<40x512xi32, #tpu.memory_space<hbm>>)
    return
  }
}

</mosaic_0001>

<sc_bundles>
// kernel: kernel.3.cloned.1.call-start
scs
__scs_entry_jumppad:
0x0: {  	(pc) =	sbr.rel $0x88, $3  }
0x1: {  	(tag) =	ssettag $0x0;
	lr =	simm.s32 $0x1  }
0x2: {  	[smem:$0x3FA0] =	sst lr;
	_ =	strace $0xD0000000  }
0x3: {  	_ = 	snop  }
0x4: {  	_ = 	snop  }
0x5: {  	_ = 	snop  }
0x6: {  	_ = 	snop  }
0x7: {  	_ = 	snop  }
__scs_overlays_trampoline_lowered:
0x8: {  	[smem:$0x3FAF] =	sst s0  }
0x9: {  	[smem:$0x3FB0] =	sst s1  }
0xa: {  	[smem:$0x3FB1] =	sst s2  }
0xb: {  	[smem:$0x3FB2] =	sst s3  }
0xc: {  	[smem:$0x3FB3] =	sst s4  }
0xd: {  	[smem:$0x3FB4] =	sst s5  }
0xe: {  	[smem:$0x3FB5] =	sst s6  }
0xf: {  	[smem:$0x3FB6] =	sst s7  }
0x10: {  	[smem:$0x3FB7] =	sst s8  }
0x11: {  	[smem:$0x3FB8] =	sst s9;
	s0 =	simm.s32 @!p0 $0x0  }
0x12: {  	s1 =	sld [smem:$0x3F9E];
	s0 =	simm.s32 @p0 $0x1  }
0x13: {  	[smem:$0x3FB9] =	sst s0;
	s0 =	simm.s32 @!p1 $0x0  }
0x14: {  	s2 =	sld [smem:$0x3F9D];
	s0 =	simm.s32 @p1 $0x1  }
0x15: {  	[smem:$0x3FBA] =	sst s0;
	s0 =	simm.s32 @!p2 $0x0  }
0x16: {  	s3 =	sld [smem:$0x3FDB];
	s0 =	simm.s32 @p2 $0x1  }
0x17: {  	s4 =	simm.s32 $0x1BF5;
	[smem:$0x3FBC] =	sst s0  }
0x18: {  	s0 =	sld [smem:$0x3F9F];
	_ =	swait.ge [sflag:s4], $0x0  }
0x19: {  	s7 =	sld [smem:$0x3FA0]  }
0x1a: {  	s8 =	sadd.s32 $0xFFFFE003, lr  }
0x1b: {  	s9 =	sadd.s32 $0xFFFFFEF7, lr;
	s5 =	simm.s32 $0xFFFFFFFF;
	p2 =	slt.u32 s8, $0xFFFFF086  }
0x1c: {  	p1 =	slt.u32 s9, $0xF7A;
	s5 =	simm.s32 @!p2 $0x0  }
0x1d: {  	s5 =	simm.s32 @p1 $0x1;
	p0 =	seq.s32 s7, s2  }
0x1e: {  	s7 =	smul.u32 @!p0 $0xF7A, s2;
	p2 =	seq.s32 @!p0 s5, $0x0  }
0x1f: {  	s9 =	smul.u32 $0xF7A, s1;
	s8 =	simm.s32 @!p0 $0x1BF5;
	p2 =	por !p2, p0  }
0x20: {  	[sflag:s8] =	ssyncset.s32 @!p0 $0xFFFFF086;
	s6 =	sadd.s32 @!p0 s3, s7;
	s7 =	simm.s32 @!p0 $0x108  }
0x21: {  	s3 =	sadd.s32 s3, s9;
	s6 =	sadd.s32 @!p0 $0x88, s6;
	s7 =	simm.s32 @p2 $0x1082  }
0x22: {  	[simem:s7], [sflag:s8] =	dma.local @!p0 [hbm:s6], $0xF7A  }
0x23: {  	s9 =	sor.u32 $0xD0000000, s2;
	s6 =	simm.s32 $0x108;
	_ =	swait.ge @!p0 [sflag:s8], $0x0  }
0x24: {  	s3 =	sadd.s32 $0x88, s3;
	s6 =	simm.s32 @!p1 $0x1082;
	[sflag:s4] =	ssyncset.s32 $0xFFFFF086  }
0x25: {  	[simem:s6], [sflag:s4] =	dma.local [hbm:s3], $0xF7A  }
0x26: {  	[smem:$0x3FA0] =	sst s1;
	(tag) =	ssettag s2;
	_ =	strace s9  }
0x27: {  	s1 =	sld [smem:$0x3FB0]  }
0x28: {  	s2 =	sld [smem:$0x3FB1]  }
0x29: {  	s4 =	sld [smem:$0x3FB3]  }
0x2a: {  	p0 =	seq.s32 s5, $0x0;
	s5 =	sld [smem:$0x3FB4]  }
0x2b: {  	s6 =	sld [smem:$0x3FB5]  }
0x2c: {  	s7 =	sld [smem:$0x3FB6]  }
0x2d: {  	s3 =	simm.s32 $0x108;
	s8 =	sld [smem:$0x3FB7]  }
0x2e: {  	s3 =	simm.s32 @!p0 $0x1082;
	s9 =	sld [smem:$0x3FB8]  }
0x2f: {  	lr =	sadd.s32 s0, s3;
	s0 =	sld [smem:$0x3FAF]  }
0x30: {  	s3 =	sld [smem:$0x3FB2]  }
0x31: {  	[smem:$0x3FBB] =	sst s10  }
0x32: {  	s10 =	sld [smem:$0x3FB9];
	_ =	sdelay $0x3  }
0x33: {  	p0 =	seq.s32 s10, $0x1;
	s10 =	sld [smem:$0x3FBB];
	_ =	sdelay $0x3  }
0x34: {  	[smem:$0x3FBB] =	sst s10  }
0x35: {  	s10 =	sld [smem:$0x3FBA];
	_ =	sdelay $0x3  }
0x36: {  	p1 =	seq.s32 s10, $0x1;
	s10 =	sld [smem:$0x3FBB];
	_ =	sdelay $0x3  }
0x37: {  	[smem:$0x3FBB] =	sst s10  }
0x38: {  	s10 =	sld [smem:$0x3FBC]  }
0x39: {  	_ = 	snop;
	(pc) =	sbr.ind lr, $3  }
0x3a: {  	_ = 	snop  }
0x3b: {  	_ = 	snop  }
0x3c: {  	p2 =	seq.s32 s10, $0x1;
	s10 =	sld [smem:$0x3FBB]  }
0x3d: {  	_ =	shalt  }
0x3e: {  	_ =	shalt  }
0x3f: {  	_ =	shalt  }
0x40: {  	_ =	shalt  }
0x41: {  	_ =	shalt  }
0x42: {  	_ =	shalt  }
0x43: {  	_ =	shalt  }
0x44: {  	_ =	shalt  }
0x45: {  	_ =	shalt  }
0x46: {  	_ =	shalt  }
0x47: {  	_ =	shalt  }
0x48: {  	_ =	shalt  }
0x49: {  	_ =	shalt  }
0x4a: {  	_ =	shalt  }
0x4b: {  	_ =	shalt  }
0x4c: {  	_ =	shalt  }
0x4d: {  	_ =	shalt  }
0x4e: {  	_ =	shalt  }
0x4f: {  	_ =	shalt  }
0x50: {  	_ =	shalt  }
0x51: {  	_ =	shalt  }
0x52: {  	_ =	shalt  }
0x53: {  	_ =	shalt  }
0x54: {  	_ =	shalt  }
0x55: {  	_ =	shalt  }
0x56: {  	_ =	shalt  }
0x57: {  	_ =	shalt  }
0x58: {  	_ =	shalt  }
0x59: {  	_ =	shalt  }
0x5a: {  	_ =	shalt  }
0x5b: {  	_ =	shalt  }
0x5c: {  	_ =	shalt  }
0x5d: {  	_ =	shalt  }
0x5e: {  	_ =	shalt  }
0x5f: {  	_ =	shalt  }
0x60: {  	_ =	shalt  }
0x61: {  	_ =	shalt  }
0x62: {  	_ =	shalt  }
0x63: {  	_ =	shalt  }
0x64: {  	_ =	shalt  }
0x65: {  	_ =	shalt  }
0x66: {  	_ =	shalt  }
0x67: {  	_ =	shalt  }
0x68: {  	_ =	shalt  }
0x69: {  	_ =	shalt  }
0x6a: {  	_ =	shalt  }
0x6b: {  	_ =	shalt  }
0x6c: {  	_ =	shalt  }
0x6d: {  	_ =	shalt  }
0x6e: {  	_ =	shalt  }
0x6f: {  	_ =	shalt  }
0x70: {  	_ =	shalt  }
0x71: {  	_ =	shalt  }
0x72: {  	_ =	shalt  }
0x73: {  	_ =	shalt  }
0x74: {  	_ =	shalt  }
0x75: {  	_ =	shalt  }
0x76: {  	_ =	shalt  }
0x77: {  	_ =	shalt  }
0x78: {  	_ =	shalt  }
0x79: {  	_ =	shalt  }
0x7a: {  	_ =	shalt  }
0x7b: {  	_ =	shalt  }
0x7c: {  	_ =	shalt  }
0x7d: {  	_ =	shalt  }
0x7e: {  	_ =	shalt  }
0x7f: {  	_ =	shalt  }
0x80: {  	_ =	shalt  }
0x81: {  	_ =	shalt  }
0x82: {  	_ =	shalt  }
0x83: {  	_ =	shalt  }
0x84: {  	_ =	shalt  }
0x85: {  	_ =	shalt  }
0x86: {  	_ =	shalt  }
0x87: {  	_ =	shalt  }
.Lfunc_end0:
.L_simem_size_0:
called_computation_lowered:
.L_overlay_start_0:
0x88: {  	s2 =	sld [smem:$0x3FD9]  }
0x89: {  	s3 =	sld [smem:$0x3FFE];
	_ =	sdelay $0x1  }
0x8a: {  	s1 =	srdreg.scid  }
0x8b: {  	s0 =	sand.u32 $0x1, s1  }
0x8c: {  	s18 =	sshll.u32 s0, $0xA;
	s2 =	sadd.s32 s3, s2  }
0x8d: {  	s2 =	sadd.s32 s2, s18  }
0x8e: {  	[smem:$0x3FC7] =	sst s2  }
0x8f: {  	_ = 	snop  }
0x90: {  	s2 =	sld [smem:$0x3FC9]  }
0x91: {  	s19 =	sld [smem:$0x3FD0];
	(tm) =	ssettm $0x1  }
0x92: {  	s4 =	sld [smem:$0x3FFB];
	_ =	sdelay $0x3  }
0x93: {  	_ =	strace s4  }
0x94: {  	s4 =	sld [smem:$0x3FFC];
	_ =	sdelay $0x3  }
0x95: {  	_ =	strace s4  }
0x96: {  	s4 =	sld [smem:$0x3FFD];
	_ =	sdelay $0x3  }
0x97: {  	_ =	strace s4  }
0x98: {  	_ =	strace $0x8FFFFFFF  }
0x99: {  	s20 =	sld [smem:$0x3FDB];
	_ =	sdelay $0x1  }
0x9a: {  	s5 =	simm.s32 $_scs_section_size  }
0x9b: {  	s6 =	simm.s32 $_size__tile_overlayer_lowered;
	s7 =	simm.s32 $_tile_overlayer_lowered  }
0x9c: {  	s23 =	simm.s32 $0x1BFF;
	s22 =	sshll.u32 s7, $0x1;
	s4 =	sadd.s32 s5, s20  }
0x9d: {  	s8 =	simm.s32 $0x0;
	s21 =	sshll.u32 s6, $0x1;
	s6 =	sadd.s32 s22, s4  }
0x9e: {  	[timem:s8], [sflag:s23] =	dma.local [hbm:s6], s21  }
0x9f: {  	_ =	swait.ge [sflag:s23], s21  }
0xa0: {  	s5 =	ssub.s32 $0x0, s21;
	[sflag:s23] =	ssyncset.done $0x0  }
0xa1: {  	[sflag:s23] =	ssyncadd.s32 s5;
	_ =	sdelay $0x1  }
0xa2: {  	s24 =	simm.s32 $0x1B8B  }
0xa3: {  	_ =	swait.ge [sflag:s24], $0x1  }
0xa4: {  	[sflag:s24] =	ssyncset.done $0x0  }
0xa5: {  	s25 =	simm.s32 $0x1B8E;
	[sflag:s24] =	ssyncadd.s32 $0xFFFFFFFF  }
0xa6: {  	s26 =	simm.s32 $execute0_lowered;
	[smem:$0x3FD2] =	sst s25  }
0xa7: {  	s5 =	sshll.u32 s26, $0x1;
	_ =	strace $0x80000046;
	[dreg:$0x1] =	wrdreg $0xFFFFFFFF  }
0xa8: {  	s28 =	simm.s32 $_size_execute0_lowered;
	s4 =	sadd.s32 s4, s5;
	[dreg:$0x0] =	wrdreg $0x0  }
0xa9: {  	s5 =	sshll.u32 s28, $0x1;
	[dreg:$0x2] =	wrdreg s4  }
0xaa: {  	[dreg:$0x3] =	wrdreg s5  }
0xab: {  	[dreg:$0x4] =	wrdreg $0xC0  }
0xac: {  	_ =	task [dreg:s8], $0x5FFFF  }
0xad: {  	[dreg:$0x1] =	wrdreg $0xFFFFFFFF  }
0xae: {  	[dreg:$0x0] =	wrdreg $0x60  }
0xaf: {  	[dreg:$0x2] =	wrdreg s2  }
0xb0: {  	[dreg:$0x3] =	wrdreg s19  }
0xb1: {  	[dreg:$0x4] =	wrdreg $0x9  }
0xb2: {  	_ =	task.clear_ibuf [dreg:s8], $0x5FFFF;
	_ =	strace $0x90000046  }
0xb3: {  	s29 =	simm.s32 $0x9;
	_ =	strace $0x80000048  }
0xb4: {  	_ =	swait.ge [sflag:s29], $0x1  }
0xb5: {  	[sflag:s29] =	ssyncadd.s32 $0xFFFFFFFF  }
0xb6: {  	_ =	strace $0x90000048  }
0xb7: {  	_ =	sfence  }
0xb8: {  	s30 =	sld [smem:$0x0];
	_ =	sdelay $0x2  }
0xb9: {  	s31 =	sshll.u32 s1, $0xD;
	s1 =	sshrl.u32 s1, $0x2  }
0xba: {  	s3 =	sand.u32 $0x4000, s31;
	s1 =	sadd.s32 s1, s30  }
0xbb: {  	s0 =	sor.u32 s3, s0;
	s1 =	sshll.u32 s1, $0x11  }
0xbc: {  	s0 =	sor.u32 s1, s0  }
0xbd: {  	s0 =	sadd.s32 $0x8F2B, s0  }
0xbe: {  	[sflag:s0] =	ssyncadd.remote.s32 $0x1  }
0xbf: {  	_ =	sfence.sel $0xFFFF  }
0xc0: {  	[dreg:$0x0] =	wrdreg $0xFFFFFFFF;
	(pc) =	sbr.abs _section_cstart, $3  }
0xc1: {  	[dreg:$0x1] =	wrdreg $0xFFFFFFFF  }
0xc2: {  	_ =	task.clear_ibuf [dreg:s8], $0x2FFFF;
	_ =	strace $0x9FFFFFFF  }
0xc3: {  	(tm) =	ssettm $0x7FFFFFFF  }
tec
execute0_lowered:
.L_overlay_start_1:
0x0: {  	(tag) =	ssettag $0x1  }
0x1: {  	s4 =	rddreg [dreg:$0x0]  }
0x2: {  	s3 =	rddreg [dreg:$0x1]  }
0x3: {  	s0 =	rddreg [dreg:$0x2];
	s2 =	simm.s32 $0x0;
	s5 =	srdreg.scid  }
0x4: {  	s1 =	stileid.u32;
	s9 =	simm.s32 $0x200;
	s10 =	simm.s32 $0x1000  }
0x5: {  	s11 =	simm.s32 $0x20000;
	s12 =	simm.s32 $0xF200;
	s13 =	simm.s32 $0x1  }
0x6: {  	s14 =	simm.s32 $0x2;
	s15 =	simm.s32 $0x0;
	s5 =	sand.u32 $0x1, s5  }
0x7: {  	s7 =	sshll.u32 s1, $0xA;
	s6 =	ssub.s32 $0x2, s5;
	s5 =	sshll.u32 s5, $0x9  }
0x8: {  	[smem:$0x7FF] =	sst s2;
	s8 =	sshrl.u32 s6, $0x1;
	s5 =	sor.u32 s5, s7  }
0x9: {  	_ =	strace $0x80000047;
	s30 =	ssub.s32 s6, s8;
	s31 =	sshrl.u32 s5, $0x3  }
0xa: {  	s3 =	sadd.s32 s3, s5;
	s8 =	simm.s32 $0x3;
	s4 =	sadd.s32 s4, s31  }
0xb: {  	v0 =	vimm.s32 $0x0;
	v1 =	vlaneseq.u32;
	v2 =	vimm.s32 $0x1;
	s5 =	sadd.s32 $0x3C000, s3;
	s6 =	sadd.s32 $0x1E0000, s3;
	s7 =	smax.u32 s30, $0x1  }
.LBB2_1:
0xc: {  	[tilespmem:s2], [sflag:$0x3] =	stream.linear.gather [hbm4b:s4+s2], $0x200, $0x38;
	[tilespmem:$0x1E200] =	vst v63  }
0xd: {  	_ =	swait.ge [sflag:s8], $0x200  }
0xe: {  	s16 =	sand.u32 $0xF000, s2;
	s17 =	sand.u32 $0x380, s2;
	[sflag:s8] =	ssyncset.done $0x0  }
0xf: {  	s16 =	sor.u32 s17, s16;
	[sflag:s8] =	ssyncadd.s32 $0xFFFFFE00  }
0x10: {  	[tilespmem:s16+$0xE70] =	vst v0  }
0x11: {  	[tilespmem:s16+$0x200] =	vst v0  }
0x12: {  	[tilespmem:s16+$0x210] =	vst v0  }
0x13: {  	[tilespmem:s16+$0x220] =	vst v0  }
0x14: {  	[tilespmem:s16+$0x230] =	vst v0  }
0x15: {  	[tilespmem:s16+$0x240] =	vst v0  }
0x16: {  	[tilespmem:s16+$0x250] =	vst v0  }
0x17: {  	[tilespmem:s16+$0x260] =	vst v0  }
0x18: {  	[tilespmem:s16+$0x270] =	vst v0  }
0x19: {  	[tilespmem:s16+$0x600] =	vst v0  }
0x1a: {  	[tilespmem:s16+$0x610] =	vst v0  }
0x1b: {  	[tilespmem:s16+$0x620] =	vst v0  }
0x1c: {  	[tilespmem:s16+$0x630] =	vst v0  }
0x1d: {  	[tilespmem:s16+$0x640] =	vst v0  }
0x1e: {  	[tilespmem:s16+$0x650] =	vst v0  }
0x1f: {  	[tilespmem:s16+$0x660] =	vst v0  }
0x20: {  	[tilespmem:s16+$0x670] =	vst v0  }
0x21: {  	[tilespmem:s16+$0xA00] =	vst v0  }
0x22: {  	[tilespmem:s16+$0xA10] =	vst v0  }
0x23: {  	[tilespmem:s16+$0xA20] =	vst v0  }
0x24: {  	[tilespmem:s16+$0xA30] =	vst v0  }
0x25: {  	[tilespmem:s16+$0xA40] =	vst v0  }
0x26: {  	[tilespmem:s16+$0xA50] =	vst v0  }
0x27: {  	[tilespmem:s16+$0xA60] =	vst v0  }
0x28: {  	[tilespmem:s16+$0xA70] =	vst v0  }
0x29: {  	[tilespmem:s16+$0xE00] =	vst v0  }
0x2a: {  	[tilespmem:s16+$0xE10] =	vst v0  }
0x2b: {  	[tilespmem:s16+$0xE20] =	vst v0  }
0x2c: {  	[tilespmem:s16+$0xE30] =	vst v0  }
0x2d: {  	s18 =	simm.s32 $0x200;
	s17 =	simm.s32 $0x80;
	[tilespmem:s16+$0xE40] =	vst v0  }
0x2e: {  	s19 =	sand.u32 $0xF000, s18;
	s18 =	simm.s32 $0x400;
	s20 =	sand.u32 $0x380, s17;
	[tilespmem:s16+$0xE50] =	vst v0  }
.LBB2_2:
0x2f: {  	p0 =	sne.s32 s18, $0xEE00;
	[tilespmem:s16+$0xE60] =	vst v0;
	s16 =	sor.u32 s20, s19  }
0x30: {  	[tilespmem:s16+$0xE70] =	vst v0  }
0x31: {  	[tilespmem:s16+$0x200] =	vst v0  }
0x32: {  	[tilespmem:s16+$0x210] =	vst v0  }
0x33: {  	[tilespmem:s16+$0x220] =	vst v0  }
0x34: {  	[tilespmem:s16+$0x230] =	vst v0  }
0x35: {  	[tilespmem:s16+$0x240] =	vst v0  }
0x36: {  	[tilespmem:s16+$0x250] =	vst v0  }
0x37: {  	[tilespmem:s16+$0x260] =	vst v0  }
0x38: {  	[tilespmem:s16+$0x270] =	vst v0  }
0x39: {  	[tilespmem:s16+$0x600] =	vst v0  }
0x3a: {  	[tilespmem:s16+$0x610] =	vst v0  }
0x3b: {  	[tilespmem:s16+$0x620] =	vst v0  }
0x3c: {  	[tilespmem:s16+$0x630] =	vst v0  }
0x3d: {  	[tilespmem:s16+$0x640] =	vst v0  }
0x3e: {  	[tilespmem:s16+$0x650] =	vst v0  }
0x3f: {  	[tilespmem:s16+$0x660] =	vst v0  }
0x40: {  	[tilespmem:s16+$0x670] =	vst v0  }
0x41: {  	[tilespmem:s16+$0xA00] =	vst v0  }
0x42: {  	[tilespmem:s16+$0xA10] =	vst v0  }
0x43: {  	[tilespmem:s16+$0xA20] =	vst v0  }
0x44: {  	[tilespmem:s16+$0xA30] =	vst v0  }
0x45: {  	[tilespmem:s16+$0xA40] =	vst v0  }
0x46: {  	[tilespmem:s16+$0xA50] =	vst v0  }
0x47: {  	[tilespmem:s16+$0xA60] =	vst v0  }
0x48: {  	[tilespmem:s16+$0xA70] =	vst v0  }
0x49: {  	[tilespmem:s16+$0xE00] =	vst v0  }
.Ltmp0:
0x4a: {  	[tilespmem:s16+$0xE10] =	vst v0;
	(pc) =	sbr.rel @p0 .LBB2_2-.Ltmp0, $4  }
0x4b: {  	[tilespmem:s16+$0xE20] =	vst v0  }
0x4c: {  	[tilespmem:s16+$0xE30] =	vst v0  }
0x4d: {  	s17 =	sadd.s32 $0x80, s17;
	[tilespmem:s16+$0xE40] =	vst v0  }
0x4e: {  	s19 =	sand.u32 $0xF000, s18;
	s18 =	sadd.s32 $0x200, s18;
	s20 =	sand.u32 $0x380, s17;
	[tilespmem:s16+$0xE50] =	vst v0  }
0x4f: {  	s17 =	sor.u32 s20, s19;
	[tilespmem:s16+$0xE60] =	vst v0  }
0x50: {  	[tilespmem:s17+$0xE70] =	vst v0  }
0x51: {  	[tilespmem:s17+$0x200] =	vst v0  }
0x52: {  	[tilespmem:s17+$0x210] =	vst v0  }
0x53: {  	[tilespmem:s17+$0x220] =	vst v0  }
0x54: {  	[tilespmem:s17+$0x230] =	vst v0  }
0x55: {  	[tilespmem:s17+$0x240] =	vst v0  }
0x56: {  	[tilespmem:s17+$0x250] =	vst v0  }
0x57: {  	[tilespmem:s17+$0x260] =	vst v0  }
0x58: {  	[tilespmem:s17+$0x270] =	vst v0  }
0x59: {  	[tilespmem:s17+$0x600] =	vst v0  }
0x5a: {  	[tilespmem:s17+$0x610] =	vst v0  }
0x5b: {  	[tilespmem:s17+$0x620] =	vst v0  }
0x5c: {  	[tilespmem:s17+$0x630] =	vst v0  }
0x5d: {  	[tilespmem:s17+$0x640] =	vst v0  }
0x5e: {  	[tilespmem:s17+$0x650] =	vst v0  }
0x5f: {  	[tilespmem:s17+$0x660] =	vst v0  }
0x60: {  	[tilespmem:s17+$0x670] =	vst v0  }
0x61: {  	[tilespmem:s17+$0xA00] =	vst v0  }
0x62: {  	[tilespmem:s17+$0xA10] =	vst v0  }
0x63: {  	[tilespmem:s17+$0xA20] =	vst v0  }
0x64: {  	[tilespmem:s17+$0xA30] =	vst v0  }
0x65: {  	[tilespmem:s17+$0xA40] =	vst v0  }
0x66: {  	[tilespmem:s17+$0xA50] =	vst v0  }
0x67: {  	[tilespmem:s17+$0xA60] =	vst v0  }
0x68: {  	[tilespmem:s17+$0xA70] =	vst v0  }
0x69: {  	[tilespmem:s17+$0xE00] =	vst v0  }
0x6a: {  	[tilespmem:s17+$0xE10] =	vst v0  }
0x6b: {  	[tilespmem:s17+$0xE20] =	vst v0  }
0x6c: {  	[tilespmem:s17+$0xE30] =	vst v0  }
0x6d: {  	[tilespmem:s17+$0xE40] =	vst v0  }
0x6e: {  	[tilespmem:s17+$0xE50] =	vst v0  }
0x6f: {  	s16 =	simm.s32 $0x0;
	[tilespmem:s17+$0xE60] =	vst v0  }
0x70: {  	s18 =	simm.s32 $0x0;
	s17 =	simm.s32 $0x10;
	v3 =	vld [tilespmem:s16+$0x0]  }
.LBB2_4:
0x71: {  	p0 =	sne.s32 s17, $0x1F0;
	_ =	sdelay $0x1  }
0x72: {  	v4 =	vmov s16  }
0x73: {  	v5 =	vor.u32 s16, v1;
	s16 =	smov.u32 s17;
	v4 =	vshll.u32 v4, $0x3  }
0x74: {  	v5 =	vand.u32 $0x7F, v5;
	v4 =	vand.u32 $0xC00, v4;
	v6 =	vshll.u32 v3, $0x9  }
0x75: {  	v4 =	vor.u32 v4, v5;
	v7 =	vshll.u32 v3, $0x7;
	v6 =	vand.u32 $0xFFFFF000, v6  }
0x76: {  	vm0 =	vlt.u32 v3, $0x78;
	v3 =	vand.u32 $0x380, v7;
	v4 =	vor.u32 v6, v4  }
0x77: {  	v3 =	vor.u32 v3, v4;
	_ =	sdelay $0x1  }
.Ltmp1:
0x78: {  	(pc) =	sbr.rel @p0 .LBB2_4-.Ltmp1, $3  }
0x79: {  	_ =	sdelay $0x1  }
0x7a: {  	s18 =	sadd.s32 $0x10, s18;
	[tilespmem:v3+s9+$0x0] =	vst.idx.msk vm0, v2  }
0x7b: {  	s17 =	sadd.s32 $0x10, s17;
	v3 =	vld [tilespmem:s18+$0x0]  }
0x7c: {  	_ =	sdelay $0x1  }
0x7d: {  	v4 =	vmov s16  }
0x7e: {  	v5 =	vor.u32 s16, v1;
	v4 =	vshll.u32 v4, $0x3  }
0x7f: {  	v5 =	vand.u32 $0x7F, v5;
	v4 =	vand.u32 $0xC00, v4;
	v6 =	vshll.u32 v3, $0x9  }
0x80: {  	v4 =	vor.u32 v4, v5;
	v7 =	vshll.u32 v3, $0x7;
	v6 =	vand.u32 $0xFFFFF000, v6  }
0x81: {  	vm0 =	vlt.u32 v3, $0x78;
	v3 =	vand.u32 $0x380, v7;
	v4 =	vor.u32 v6, v4  }
0x82: {  	v3 =	vor.u32 v3, v4;
	_ =	sdelay $0x2  }
0x83: {  	s16 =	simm.s32 $0x0  }
0x84: {  	s17 =	sand.u32 $0xF000, s16;
	s18 =	sand.u32 $0x380, s16  }
0x85: {  	s17 =	sor.u32 s18, s17;
	[tilespmem:v3+s9+$0x0] =	vst.idx.msk vm0, v2  }
0x86: {  	[hbm4b:s3+s10] =	stream.strided.scatter [tilespmem:s9], [sflag:$0x1], $0xF000, s11, s10, $0x38;
	[tilespmem:$0x1E200] =	vst v63  }
0x87: {  	[tilespmem:s17+$0xFE70] =	vst v0  }
0x88: {  	[tilespmem:s17+$0xF200] =	vst v0  }
0x89: {  	[tilespmem:s17+$0xF210] =	vst v0  }
0x8a: {  	[tilespmem:s17+$0xF220] =	vst v0  }
0x8b: {  	[tilespmem:s17+$0xF230] =	vst v0  }
0x8c: {  	[tilespmem:s17+$0xF240] =	vst v0  }
0x8d: {  	[tilespmem:s17+$0xF250] =	vst v0  }
0x8e: {  	[tilespmem:s17+$0xF260] =	vst v0  }
0x8f: {  	[tilespmem:s17+$0xF270] =	vst v0  }
0x90: {  	[tilespmem:s17+$0xF600] =	vst v0  }
0x91: {  	[tilespmem:s17+$0xF610] =	vst v0  }
0x92: {  	[tilespmem:s17+$0xF620] =	vst v0  }
0x93: {  	[tilespmem:s17+$0xF630] =	vst v0  }
0x94: {  	[tilespmem:s17+$0xF640] =	vst v0  }
0x95: {  	[tilespmem:s17+$0xF650] =	vst v0  }
0x96: {  	[tilespmem:s17+$0xF660] =	vst v0  }
0x97: {  	[tilespmem:s17+$0xF670] =	vst v0  }
0x98: {  	[tilespmem:s17+$0xFA00] =	vst v0  }
0x99: {  	[tilespmem:s17+$0xFA10] =	vst v0  }
0x9a: {  	[tilespmem:s17+$0xFA20] =	vst v0  }
0x9b: {  	[tilespmem:s17+$0xFA30] =	vst v0  }
0x9c: {  	[tilespmem:s17+$0xFA40] =	vst v0  }
0x9d: {  	[tilespmem:s17+$0xFA50] =	vst v0  }
0x9e: {  	[tilespmem:s17+$0xFA60] =	vst v0  }
0x9f: {  	[tilespmem:s17+$0xFA70] =	vst v0  }
0xa0: {  	[tilespmem:s17+$0xFE00] =	vst v0  }
0xa1: {  	[tilespmem:s17+$0xFE10] =	vst v0  }
0xa2: {  	[tilespmem:s17+$0xFE20] =	vst v0  }
0xa3: {  	[tilespmem:s17+$0xFE30] =	vst v0  }
0xa4: {  	s19 =	simm.s32 $0x200;
	s18 =	simm.s32 $0x80;
	[tilespmem:s17+$0xFE40] =	vst v0  }
0xa5: {  	s20 =	sand.u32 $0xF000, s19;
	s19 =	simm.s32 $0x400;
	s21 =	sand.u32 $0x380, s18;
	[tilespmem:s17+$0xFE50] =	vst v0  }
.LBB2_6:
0xa6: {  	p0 =	sne.s32 s19, $0xEE00;
	[tilespmem:s17+$0xFE60] =	vst v0;
	s17 =	sor.u32 s21, s20  }
0xa7: {  	[tilespmem:s17+$0xFE70] =	vst v0  }
0xa8: {  	[tilespmem:s17+$0xF200] =	vst v0  }
0xa9: {  	[tilespmem:s17+$0xF210] =	vst v0  }
0xaa: {  	[tilespmem:s17+$0xF220] =	vst v0  }
0xab: {  	[tilespmem:s17+$0xF230] =	vst v0  }
0xac: {  	[tilespmem:s17+$0xF240] =	vst v0  }
0xad: {  	[tilespmem:s17+$0xF250] =	vst v0  }
0xae: {  	[tilespmem:s17+$0xF260] =	vst v0  }
0xaf: {  	[tilespmem:s17+$0xF270] =	vst v0  }
0xb0: {  	[tilespmem:s17+$0xF600] =	vst v0  }
0xb1: {  	[tilespmem:s17+$0xF610] =	vst v0  }
0xb2: {  	[tilespmem:s17+$0xF620] =	vst v0  }
0xb3: {  	[tilespmem:s17+$0xF630] =	vst v0  }
0xb4: {  	[tilespmem:s17+$0xF640] =	vst v0  }
0xb5: {  	[tilespmem:s17+$0xF650] =	vst v0  }
0xb6: {  	[tilespmem:s17+$0xF660] =	vst v0  }
0xb7: {  	[tilespmem:s17+$0xF670] =	vst v0  }
0xb8: {  	[tilespmem:s17+$0xFA00] =	vst v0  }
0xb9: {  	[tilespmem:s17+$0xFA10] =	vst v0  }
0xba: {  	[tilespmem:s17+$0xFA20] =	vst v0  }
0xbb: {  	[tilespmem:s17+$0xFA30] =	vst v0  }
0xbc: {  	[tilespmem:s17+$0xFA40] =	vst v0  }
0xbd: {  	[tilespmem:s17+$0xFA50] =	vst v0  }
0xbe: {  	[tilespmem:s17+$0xFA60] =	vst v0  }
0xbf: {  	[tilespmem:s17+$0xFA70] =	vst v0  }
0xc0: {  	[tilespmem:s17+$0xFE00] =	vst v0  }
.Ltmp2:
0xc1: {  	[tilespmem:s17+$0xFE10] =	vst v0;
	(pc) =	sbr.rel @p0 .LBB2_6-.Ltmp2, $4  }
0xc2: {  	[tilespmem:s17+$0xFE20] =	vst v0  }
0xc3: {  	[tilespmem:s17+$0xFE30] =	vst v0  }
0xc4: {  	s18 =	sadd.s32 $0x80, s18;
	[tilespmem:s17+$0xFE40] =	vst v0  }
0xc5: {  	s20 =	sand.u32 $0xF000, s19;
	s19 =	sadd.s32 $0x200, s19;
	s21 =	sand.u32 $0x380, s18;
	[tilespmem:s17+$0xFE50] =	vst v0  }
0xc6: {  	s18 =	sor.u32 s21, s20;
	[tilespmem:s17+$0xFE60] =	vst v0  }
0xc7: {  	[tilespmem:s18+$0xFE70] =	vst v0  }
0xc8: {  	[tilespmem:s18+$0xF200] =	vst v0  }
0xc9: {  	[tilespmem:s18+$0xF210] =	vst v0  }
0xca: {  	[tilespmem:s18+$0xF220] =	vst v0  }
0xcb: {  	[tilespmem:s18+$0xF230] =	vst v0  }
0xcc: {  	[tilespmem:s18+$0xF240] =	vst v0  }
0xcd: {  	[tilespmem:s18+$0xF250] =	vst v0  }
0xce: {  	[tilespmem:s18+$0xF260] =	vst v0  }
0xcf: {  	[tilespmem:s18+$0xF270] =	vst v0  }
0xd0: {  	[tilespmem:s18+$0xF600] =	vst v0  }
0xd1: {  	[tilespmem:s18+$0xF610] =	vst v0  }
0xd2: {  	[tilespmem:s18+$0xF620] =	vst v0  }
0xd3: {  	[tilespmem:s18+$0xF630] =	vst v0  }
0xd4: {  	[tilespmem:s18+$0xF640] =	vst v0  }
0xd5: {  	[tilespmem:s18+$0xF650] =	vst v0  }
0xd6: {  	[tilespmem:s18+$0xF660] =	vst v0  }
0xd7: {  	[tilespmem:s18+$0xF670] =	vst v0  }
0xd8: {  	[tilespmem:s18+$0xFA00] =	vst v0  }
0xd9: {  	[tilespmem:s18+$0xFA10] =	vst v0  }
0xda: {  	[tilespmem:s18+$0xFA20] =	vst v0  }
0xdb: {  	[tilespmem:s18+$0xFA30] =	vst v0  }
0xdc: {  	[tilespmem:s18+$0xFA40] =	vst v0  }
0xdd: {  	[tilespmem:s18+$0xFA50] =	vst v0  }
0xde: {  	[tilespmem:s18+$0xFA60] =	vst v0  }
0xdf: {  	[tilespmem:s18+$0xFA70] =	vst v0  }
0xe0: {  	[tilespmem:s18+$0xFE00] =	vst v0  }
0xe1: {  	[tilespmem:s18+$0xFE10] =	vst v0  }
0xe2: {  	[tilespmem:s18+$0xFE20] =	vst v0  }
0xe3: {  	[tilespmem:s18+$0xFE30] =	vst v0  }
0xe4: {  	[tilespmem:s18+$0xFE40] =	vst v0  }
0xe5: {  	[tilespmem:s18+$0xFE50] =	vst v0  }
0xe6: {  	[tilespmem:s18+$0xFE60] =	vst v0  }
0xe7: {  	s17 =	simm.s32 $0x10;
	s18 =	simm.s32 $0x0;
	v3 =	vld [tilespmem:s16+$0x0]  }
.LBB2_8:
0xe8: {  	p0 =	sne.s32 s17, $0x1F0;
	_ =	sdelay $0x2  }
0xe9: {  	v4 =	vmov s16  }
0xea: {  	v4 =	vshll.u32 v4, $0x3;
	v5 =	vshll.u32 v3, $0x9  }
0xeb: {  	v4 =	vand.u32 $0xC00, v4;
	v6 =	vshll.u32 v3, $0x7;
	v5 =	vand.u32 $0xFFFFF000, v5  }
0xec: {  	v7 =	vor.u32 s16, v1;
	s16 =	smov.u32 s17;
	v4 =	vor.u32 v4, v5;
	v5 =	vand.u32 $0x380, v6  }
0xed: {  	v3 =	vadd.s32 $0xFFFFFF88, v3;
	v6 =	vand.u32 $0x7F, v7;
	v4 =	vor.u32 v5, v4  }
0xee: {  	vm0 =	vlt.u32 v3, $0x78;
	v3 =	vor.u32 v6, v4  }
0xef: {  	v3 =	vadd.s32 $0xFFFF1000, v3;
	_ =	sdelay $0x1  }
.Ltmp3:
0xf0: {  	(pc) =	sbr.rel @p0 .LBB2_8-.Ltmp3, $3  }
0xf1: {  	_ =	sdelay $0x1  }
0xf2: {  	s18 =	sadd.s32 $0x10, s18;
	[tilespmem:v3+s12+$0x0] =	vst.idx.msk vm0, v2  }
0xf3: {  	s17 =	sadd.s32 $0x10, s17;
	v3 =	vld [tilespmem:s18+$0x0]  }
0xf4: {  	_ =	sdelay $0x2  }
0xf5: {  	v4 =	vmov s16  }
0xf6: {  	v4 =	vshll.u32 v4, $0x3;
	v5 =	vshll.u32 v3, $0x9  }
0xf7: {  	v4 =	vand.u32 $0xC00, v4;
	v6 =	vshll.u32 v3, $0x7;
	v5 =	vand.u32 $0xFFFFF000, v5  }
0xf8: {  	v7 =	vor.u32 s16, v1;
	v62 =	vand.u32 $0x380, v6;
	v4 =	vor.u32 v4, v5  }
0xf9: {  	v63 =	vand.u32 $0x7F, v7;
	v3 =	vadd.s32 $0xFFFFFF88, v3;
	v4 =	vor.u32 v62, v4  }
0xfa: {  	vm0 =	vlt.u32 v3, $0x78;
	v3 =	vor.u32 v63, v4  }
0xfb: {  	v3 =	vadd.s32 $0xFFFF1000, v3;
	_ =	sdelay $0x4  }
0xfc: {  	s16 =	simm.s32 $0x0;
	s17 =	simm.s32 $0x0;
	[tilespmem:v3+s12+$0x0] =	vst.idx.msk vm0, v2  }
0xfd: {  	[hbm4b:s5+s10] =	stream.strided.scatter [tilespmem:s12], [sflag:$0x2], $0xF000, s11, s10, $0x38;
	[tilespmem:$0x1E200] =	vst v63  }
.LBB2_10:
0xfe: {  	s18 =	smul.u32 $0xF0, s17;
	_ =	swait.ge [sflag:s13], $0xF000  }
0xff: {  	[sflag:s13] =	ssyncset.done $0x0  }
0x100: {  	s19 =	sadd.s32 $0x78, s18;
	[sflag:s13] =	ssyncadd.s32 $0xFFFF1000  }
0x101: {  	s20 =	simm.s32 $0x0;
	s21 =	simm.s32 $0x0;
	v4 =	vmov s18;
	v3 =	vmov s19;
	v5 =	vld [tilespmem:s16+$0x0];
	s19 =	simm.s32 $0x10  }
.LBB2_11:
0x102: {  	p0 =	seq.s32 s19, $0x1F0;
	v6 =	vmov s20  }
0x103: {  	v7 =	vor.u32 s20, v1;
	s20 =	smov.u32 s19;
	v6 =	vshll.u32 v6, $0x3  }
0x104: {  	v7 =	vand.u32 $0x7F, v7;
	v6 =	vand.u32 $0xC00, v6  }
0x105: {  	v6 =	vor.u32 v6, v7  }
0x106: {  	vm0 =	vge.s32 v5, v4;
	v7 =	vsub.s32 v5, v4;
	v8 =	vshll.u32 v5, $0x7  }
0x107: {  	vm1 =	vlt.s32 v5, v3;
	v5 =	vshll.u32 v7, $0x9;
	v7 =	vand.u32 $0x380, v8  }
0x108: {  	vm0 =	vmand vm0, vm1;
	v5 =	vand.u32 $0xFFFFF000, v5;
	v6 =	vor.u32 v7, v6  }
0x109: {  	v5 =	vor.u32 v5, v6;
	_ =	sdelay $0x1  }
.Ltmp4:
0x10a: {  	(pc) =	sbr.rel @!p0 .LBB2_11-.Ltmp4, $3  }
0x10b: {  	_ =	sdelay $0x1  }
0x10c: {  	s21 =	sadd.s32 $0x10, s21;
	[tilespmem:v5+s9+$0x0] =	vst.idx.msk vm0, v0  }
0x10d: {  	s19 =	sadd.s32 $0x10, s19;
	v5 =	vld [tilespmem:s21+$0x0]  }
0x10e: {  	v6 =	vmov s20  }
0x10f: {  	v7 =	vor.u32 s20, v1;
	v6 =	vshll.u32 v6, $0x3  }
0x110: {  	v7 =	vand.u32 $0x7F, v7;
	v6 =	vand.u32 $0xC00, v6  }
0x111: {  	v6 =	vor.u32 v6, v7  }
0x112: {  	vm0 =	vge.s32 v5, v4;
	v4 =	vsub.s32 v5, v4;
	v7 =	vshll.u32 v5, $0x7  }
0x113: {  	vm1 =	vlt.s32 v5, v3;
	v4 =	vshll.u32 v4, $0x9;
	v5 =	vand.u32 $0x380, v7  }
0x114: {  	vm0 =	vmand vm0, vm1;
	v4 =	vand.u32 $0xFFFFF000, v4;
	v5 =	vor.u32 v5, v6  }
0x115: {  	v4 =	vor.u32 v4, v5;
	_ =	sdelay $0x4  }
0x116: {  	s20 =	sadd.s32 $0xF0, s18;
	s19 =	sadd.s32 $0x168, s18;
	s21 =	simm.s32 $0x0;
	[tilespmem:v4+s9+$0x0] =	vst.idx.msk vm0, v0  }
0x117: {  	s22 =	simm.s32 $0x10;
	s23 =	simm.s32 $0x0;
	v5 =	vmov s20;
	v4 =	vmov s19;
	v6 =	vld [tilespmem:s21+$0x0]  }
.LBB2_13:
0x118: {  	p0 =	sne.s32 s22, $0x1F0;
	v7 =	vmov s21  }
0x119: {  	v8 =	vor.u32 s21, v1;
	s21 =	smov.u32 s22;
	v7 =	vshll.u32 v7, $0x3  }
0x11a: {  	v8 =	vand.u32 $0x7F, v8;
	v7 =	vand.u32 $0xC00, v7  }
0x11b: {  	v7 =	vor.u32 v7, v8  }
0x11c: {  	vm0 =	vge.s32 v6, v5;
	v8 =	vsub.s32 v6, v5;
	v9 =	vshll.u32 v6, $0x7  }
0x11d: {  	vm1 =	vlt.s32 v6, v4;
	v6 =	vshll.u32 v8, $0x9;
	v8 =	vand.u32 $0x380, v9  }
0x11e: {  	vm0 =	vmand vm0, vm1;
	v6 =	vand.u32 $0xFFFFF000, v6;
	v7 =	vor.u32 v8, v7  }
0x11f: {  	v6 =	vor.u32 v6, v7;
	_ =	sdelay $0x1  }
.Ltmp5:
0x120: {  	(pc) =	sbr.rel @p0 .LBB2_13-.Ltmp5, $3  }
0x121: {  	_ =	sdelay $0x1  }
0x122: {  	s23 =	sadd.s32 $0x10, s23;
	[tilespmem:v6+s9+$0x0] =	vst.idx.msk vm0, v2  }
0x123: {  	s22 =	sadd.s32 $0x10, s22;
	v6 =	vld [tilespmem:s23+$0x0]  }
0x124: {  	v7 =	vmov s21  }
0x125: {  	v8 =	vor.u32 s21, v1;
	v7 =	vshll.u32 v7, $0x3  }
0x126: {  	v8 =	vand.u32 $0x7F, v8;
	v7 =	vand.u32 $0xC00, v7  }
0x127: {  	v7 =	vor.u32 v7, v8  }
0x128: {  	vm0 =	vge.s32 v6, v5;
	v8 =	vsub.s32 v6, v5;
	v9 =	vshll.u32 v6, $0x7  }
0x129: {  	vm1 =	vlt.s32 v6, v4;
	v6 =	vshll.u32 v8, $0x9;
	v8 =	vand.u32 $0x380, v9  }
0x12a: {  	vm0 =	vmand vm0, vm1;
	v6 =	vand.u32 $0xFFFFF000, v6;
	v7 =	vor.u32 v8, v7  }
0x12b: {  	v6 =	vor.u32 v6, v7;
	_ =	sdelay $0x3  }
0x12c: {  	s20 =	sshll.u32 s20, $0xB  }
0x12d: {  	s20 =	sadd.s32 s20, s3;
	[tilespmem:v6+s9+$0x0] =	vst.idx.msk vm0, v2  }
0x12e: {  	[hbm4b:s20+s10] =	stream.strided.scatter [tilespmem:s9], [sflag:$0x1], $0xF000, s11, s10, $0x38;
	[tilespmem:$0x1E200] =	vst v63  }
0x12f: {  	_ =	swait.ge [sflag:s14], $0xF000  }
0x130: {  	[sflag:s14] =	ssyncset.done $0x0  }
0x131: {  	s20 =	simm.s32 $0x0;
	[sflag:s14] =	ssyncadd.s32 $0xFFFF1000  }
0x132: {  	s21 =	simm.s32 $0x10;
	s22 =	simm.s32 $0x0;
	v6 =	vld [tilespmem:s20+$0x0]  }
.LBB2_15:
0x133: {  	p0 =	seq.s32 s21, $0x1F0;
	v7 =	vmov s20  }
0x134: {  	v8 =	vor.u32 s20, v1;
	s20 =	smov.u32 s21;
	v7 =	vshll.u32 v7, $0x3  }
0x135: {  	v8 =	vand.u32 $0x7F, v8;
	v7 =	vand.u32 $0xC00, v7  }
0x136: {  	v7 =	vor.u32 v7, v8  }
0x137: {  	vm0 =	vge.s32 v6, v3;
	v8 =	vsub.s32 v6, v3;
	v9 =	vshll.u32 v6, $0x7  }
0x138: {  	vm1 =	vlt.s32 v6, v5;
	v6 =	vshll.u32 v8, $0x9;
	v8 =	vand.u32 $0x380, v9  }
0x139: {  	vm0 =	vmand vm0, vm1;
	v6 =	vand.u32 $0xFFFFF000, v6;
	v7 =	vor.u32 v8, v7  }
0x13a: {  	v6 =	vor.u32 v6, v7;
	_ =	sdelay $0x1  }
.Ltmp6:
0x13b: {  	(pc) =	sbr.rel @!p0 .LBB2_15-.Ltmp6, $3  }
0x13c: {  	_ =	sdelay $0x1  }
0x13d: {  	s22 =	sadd.s32 $0x10, s22;
	[tilespmem:v6+s12+$0x0] =	vst.idx.msk vm0, v0  }
0x13e: {  	s21 =	sadd.s32 $0x10, s21;
	v6 =	vld [tilespmem:s22+$0x0]  }
0x13f: {  	v7 =	vmov s20  }
0x140: {  	v8 =	vor.u32 s20, v1;
	v7 =	vshll.u32 v7, $0x3  }
0x141: {  	v8 =	vand.u32 $0x7F, v8;
	v7 =	vand.u32 $0xC00, v7  }
0x142: {  	v7 =	vor.u32 v7, v8  }
0x143: {  	vm0 =	vge.s32 v6, v3;
	v3 =	vsub.s32 v6, v3;
	v63 =	vshll.u32 v6, $0x7  }
0x144: {  	vm1 =	vlt.s32 v6, v5;
	v3 =	vshll.u32 v3, $0x9;
	v5 =	vand.u32 $0x380, v63  }
0x145: {  	vm0 =	vmand vm0, vm1;
	v3 =	vand.u32 $0xFFFFF000, v3;
	v5 =	vor.u32 v5, v7  }
0x146: {  	v3 =	vor.u32 v3, v5;
	_ =	sdelay $0x3  }
0x147: {  	s18 =	sadd.s32 $0x1E0, s18  }
0x148: {  	[tilespmem:v3+s12+$0x0] =	vst.idx.msk vm0, v0;
	v3 =	vmov s18;
	s18 =	simm.s32 $0x0  }
0x149: {  	s20 =	simm.s32 $0x10;
	s21 =	simm.s32 $0x0;
	v5 =	vld [tilespmem:s18+$0x0]  }
.LBB2_17:
0x14a: {  	p0 =	sne.s32 s20, $0x1F0;
	v6 =	vmov s18  }
0x14b: {  	v7 =	vor.u32 s18, v1;
	s18 =	smov.u32 s20;
	v6 =	vshll.u32 v6, $0x3  }
0x14c: {  	v7 =	vand.u32 $0x7F, v7;
	v6 =	vand.u32 $0xC00, v6  }
0x14d: {  	v6 =	vor.u32 v6, v7  }
0x14e: {  	vm0 =	vge.s32 v5, v4;
	v7 =	vsub.s32 v5, v4;
	v8 =	vshll.u32 v5, $0x7  }
0x14f: {  	vm1 =	vlt.s32 v5, v3;
	v5 =	vshll.u32 v7, $0x9;
	v7 =	vand.u32 $0x380, v8  }
0x150: {  	vm0 =	vmand vm0, vm1;
	v5 =	vand.u32 $0xFFFFF000, v5;
	v6 =	vor.u32 v7, v6  }
0x151: {  	v5 =	vor.u32 v5, v6;
	_ =	sdelay $0x1  }
.Ltmp7:
0x152: {  	(pc) =	sbr.rel @p0 .LBB2_17-.Ltmp7, $3  }
0x153: {  	_ =	sdelay $0x1  }
0x154: {  	s21 =	sadd.s32 $0x10, s21;
	[tilespmem:v5+s12+$0x0] =	vst.idx.msk vm0, v2  }
0x155: {  	s20 =	sadd.s32 $0x10, s20;
	v5 =	vld [tilespmem:s21+$0x0]  }
0x156: {  	v6 =	vmov s18  }
0x157: {  	v7 =	vor.u32 s18, v1;
	v6 =	vshll.u32 v6, $0x3  }
0x158: {  	v7 =	vand.u32 $0x7F, v7;
	v6 =	vand.u32 $0xC00, v6  }
0x159: {  	v6 =	vor.u32 v6, v7  }
0x15a: {  	vm0 =	vge.s32 v5, v4;
	v61 =	vsub.s32 v5, v4;
	v62 =	vshll.u32 v5, $0x7  }
0x15b: {  	vm1 =	vlt.s32 v5, v3;
	v3 =	vshll.u32 v61, $0x9;
	v63 =	vand.u32 $0x380, v62  }
0x15c: {  	vm0 =	vmand vm0, vm1;
	v3 =	vand.u32 $0xFFFFF000, v3;
	v4 =	vor.u32 v63, v6  }
0x15d: {  	s17 =	sadd.s32 $0x1, s17;
	v3 =	vor.u32 v3, v4  }
0x15e: {  	p0 =	sne.s32 s17, $0x3  }
.Ltmp8:
0x15f: {  	_ = 	snop;
	(pc) =	sbr.rel @p0 .LBB2_10-.Ltmp8, $4  }
0x160: {  	_ = 	snop  }
0x161: {  	s31 =	sshll.u32 s19, $0xB  }
0x162: {  	s18 =	sadd.s32 s31, s3;
	[tilespmem:v3+s12+$0x0] =	vst.idx.msk vm0, v2  }
0x163: {  	[hbm4b:s18+s10] =	stream.strided.scatter [tilespmem:s12], [sflag:$0x2], $0xF000, s11, s10, $0x38;
	[tilespmem:$0x1E200] =	vst v63  }
0x164: {  	_ =	swait.ge [sflag:s13], $0xF000  }
0x165: {  	[sflag:s13] =	ssyncset.done $0x0  }
0x166: {  	s16 =	simm.s32 $0x0;
	[sflag:s13] =	ssyncadd.s32 $0xFFFF1000  }
0x167: {  	s18 =	simm.s32 $0x10;
	s17 =	simm.s32 $0x0;
	s19 =	simm.s32 $0x0;
	v3 =	vld [tilespmem:s16+$0x0]  }
.LBB2_20:
0x168: {  	p0 =	sne.s32 s18, $0x1F0;
	_ =	sdelay $0x2  }
0x169: {  	v4 =	vmov s17  }
0x16a: {  	v4 =	vshll.u32 v4, $0x3;
	v5 =	vshll.u32 v3, $0x9  }
0x16b: {  	v4 =	vand.u32 $0xC00, v4;
	v6 =	vshll.u32 v3, $0x7;
	v5 =	vand.u32 $0xFFFFF000, v5  }
0x16c: {  	v7 =	vor.u32 s17, v1;
	s17 =	smov.u32 s18;
	v4 =	vor.u32 v4, v5;
	v5 =	vand.u32 $0x380, v6  }
0x16d: {  	v3 =	vadd.s32 $0xFFFFFD30, v3;
	v6 =	vand.u32 $0x7F, v7;
	v4 =	vor.u32 v5, v4  }
0x16e: {  	vm0 =	vlt.u32 v3, $0x78;
	v3 =	vor.u32 v6, v4  }
0x16f: {  	v3 =	vadd.s32 $0xFFFA6000, v3;
	_ =	sdelay $0x1  }
.Ltmp9:
0x170: {  	(pc) =	sbr.rel @p0 .LBB2_20-.Ltmp9, $3  }
0x171: {  	_ =	sdelay $0x1  }
0x172: {  	s19 =	sadd.s32 $0x10, s19;
	[tilespmem:v3+s9+$0x0] =	vst.idx.msk vm0, v0  }
0x173: {  	s18 =	sadd.s32 $0x10, s18;
	v3 =	vld [tilespmem:s19+$0x0]  }
0x174: {  	_ =	sdelay $0x2  }
0x175: {  	v4 =	vmov s17  }
0x176: {  	v4 =	vshll.u32 v4, $0x3;
	v5 =	vshll.u32 v3, $0x9  }
0x177: {  	v4 =	vand.u32 $0xC00, v4;
	v6 =	vshll.u32 v3, $0x7;
	v5 =	vand.u32 $0xFFFFF000, v5  }
0x178: {  	v7 =	vor.u32 s17, v1;
	v4 =	vor.u32 v4, v5;
	v5 =	vand.u32 $0x380, v6  }
0x179: {  	v63 =	vand.u32 $0x7F, v7;
	v3 =	vadd.s32 $0xFFFFFD30, v3;
	v4 =	vor.u32 v5, v4  }
0x17a: {  	vm0 =	vlt.u32 v3, $0x78;
	v3 =	vor.u32 v63, v4  }
0x17b: {  	v3 =	vadd.s32 $0xFFFA6000, v3;
	_ =	sdelay $0x4  }
0x17c: {  	[tilespmem:v3+s9+$0x0] =	vst.idx.msk vm0, v0  }
0x17d: {  	s17 =	simm.s32 $0x10;
	s18 =	simm.s32 $0x0;
	v3 =	vld [tilespmem:s16+$0x0]  }
.LBB2_22:
0x17e: {  	p0 =	sne.s32 s17, $0x1F0;
	_ =	sdelay $0x2  }
0x17f: {  	v4 =	vmov s16  }
0x180: {  	v4 =	vshll.u32 v4, $0x3;
	v5 =	vshll.u32 v3, $0x9  }
0x181: {  	v4 =	vand.u32 $0xC00, v4;
	v6 =	vshll.u32 v3, $0x7;
	v5 =	vand.u32 $0xFFFFF000, v5  }
0x182: {  	v7 =	vor.u32 s16, v1;
	s16 =	smov.u32 s17;
	v4 =	vor.u32 v4, v5;
	v5 =	vand.u32 $0x380, v6  }
0x183: {  	v3 =	vadd.s32 $0xFFFFFC40, v3;
	v6 =	vand.u32 $0x7F, v7;
	v4 =	vor.u32 v5, v4  }
0x184: {  	vm0 =	vlt.u32 v3, $0x28;
	v3 =	vor.u32 v6, v4  }
0x185: {  	v3 =	vadd.s32 $0xFFF88000, v3;
	_ =	sdelay $0x1  }
.Ltmp10:
0x186: {  	(pc) =	sbr.rel @p0 .LBB2_22-.Ltmp10, $3  }
0x187: {  	_ =	sdelay $0x1  }
0x188: {  	s18 =	sadd.s32 $0x10, s18;
	[tilespmem:v3+s9+$0x0] =	vst.idx.msk vm0, v2  }
0x189: {  	s17 =	sadd.s32 $0x10, s17;
	v3 =	vld [tilespmem:s18+$0x0]  }
0x18a: {  	_ =	sdelay $0x2  }
0x18b: {  	v4 =	vmov s16  }
0x18c: {  	v4 =	vshll.u32 v4, $0x3;
	v5 =	vshll.u32 v3, $0x9  }
0x18d: {  	v4 =	vand.u32 $0xC00, v4;
	v6 =	vshll.u32 v3, $0x7;
	v5 =	vand.u32 $0xFFFFF000, v5  }
0x18e: {  	v7 =	vor.u32 s16, v1;
	v62 =	vand.u32 $0x380, v6;
	v4 =	vor.u32 v4, v5  }
0x18f: {  	v63 =	vand.u32 $0x7F, v7;
	v3 =	vadd.s32 $0xFFFFFC40, v3;
	v4 =	vor.u32 v62, v4  }
0x190: {  	vm0 =	vlt.u32 v3, $0x28;
	v3 =	vor.u32 v63, v4  }
0x191: {  	v3 =	vadd.s32 $0xFFF88000, v3;
	_ =	sdelay $0x4  }
0x192: {  	s15 =	sadd.s32 $0x1, s15;
	[tilespmem:v3+s9+$0x0] =	vst.idx.msk vm0, v2  }
0x193: {  	[hbm4b:s6+s10] =	stream.strided.scatter [tilespmem:s9], [sflag:$0x1], $0x5000, s11, s10, $0x38;
	[tilespmem:$0x1E200] =	vst v63  }
0x194: {  	p0 =	sne.s32 s15, s7;
	_ =	swait.ge [sflag:s14], $0xF000  }
.Ltmp11:
0x195: {  	[sflag:s14] =	ssyncset.done $0x0;
	(pc) =	sbr.rel @p0 .LBB2_1-.Ltmp11, $4  }
0x196: {  	[sflag:s14] =	ssyncadd.s32 $0xFFFF1000  }
0x197: {  	_ =	swait.ge [sflag:s13], $0x5000  }
0x198: {  	[sflag:s13] =	ssyncset.done $0x0  }
0x199: {  	[sflag:s13] =	ssyncadd.s32 $0xFFFFB000  }
0x19a: {  	_ =	sfence.sel $0x180000  }
0x19b: {  	[bflag:$0x0] =	sbarrier.arrive $0xFFFF  }
0x19c: {  	p0 =	sne.s32 s1, $0x0;
	_ =	strace $0x90000047  }
0x19d: {  	s0 =	sadd.s32 @!p0 $0x100000, s0;
	[bflag:$0x2] =	sbarrier.arrive $0xFFFF  }
0x19e: {  	[sflag:s0] =	ssyncadd.tile.s32 @!p0 $0x1;
	_ =	shalt  }
.Lfunc_end2:
_tile_overlayer_lowered:
.L_overlay_start_2:
0x19f: {  	(tag) =	ssettag $0x2  }
0x1a0: {  	s0 =	rddreg [dreg:$0x0];
	s2 =	stileid.u32  }
0x1a1: {  	s1 =	rddreg [dreg:$0x1];
	p0 =	sne.s32 s2, $0x0  }
0x1a2: {  	s3 =	rddreg [dreg:$0x2];
	[bflag:$0x3] =	sbarrier.arrive $0xFFFF;
	s2 =	simm.s32 @!p0 $0x1C03  }
0x1a3: {  	[timem:s3], [sflag:s2] =	dma.local @!p0 [hbm:s0], s1  }
0x1a4: {  	s0 =	simm.s32 @!p0 $0x3  }
0x1a5: {  	_ =	swait.ge @!p0 [sflag:s0], s1  }
0x1a6: {  	s1 =	ssub.s32 @!p0 $0x0, s1;
	[sflag:s0] =	ssyncset.done @!p0 $0x0  }
0x1a7: {  	[sflag:s0] =	ssyncadd.s32 @!p0 s1  }
0x1a8: {  	[bflag:$0x3] =	sbarrier.arrive $0xFFFF  }
0x1a9: {  	_ =	shalt  }

</sc_bundles>
